<compile_context>
chip_gen: v7x
topology: tpu7x:2x2x1
jax: 0.10.2.dev20260603
libtpu: 0.0.44.dev20260713+nightly
codegen_flags: <defaults>
</compile_context>

<pallas_src>
import jax
import jax.numpy as jnp
from jax import lax
from jax.experimental import pallas as pl
from jax.experimental.pallas import tpu as pltpu
from jax.experimental.pallas import tpu_sc as plsc

_N = 5000
_NPAD = 5120
_L = 16
_NW = 16
_U = 2
_B = _NW * _L * _U
_NB = _NPAD // _B
_FAR = 2e9


def _splat_gather(ref, idx_scalar):
    iv = jnp.full((_L,), idx_scalar, jnp.int32)
    return plsc.load_gather(ref, [iv])


def _nms_body(x1h, y1h, x2h, y2h, sch, ordh, keep_h, ksc_h,
              x1, y1, x2, y2, scu, ordl,
              kx1, ky1, kx2, ky2, kar,
              stat_l, bidx_l, alive_l, keepv, ksc_v,
              stage, knew_l,
              alive_sh, stat_sh, bidx_sh, knew_sh):
    w = lax.axis_index("s")
    lanes = lax.broadcasted_iota(jnp.int32, (_L,), 0)
    lane0 = lanes == 0
    ffalse = lanes < 0
    fone = jnp.full((_L,), 1.0, jnp.float32)

    pltpu.sync_copy(x1h, x1)
    pltpu.sync_copy(y1h, y1)
    pltpu.sync_copy(x2h, x2)
    pltpu.sync_copy(y2h, y2)
    pltpu.sync_copy(sch, scu)
    pltpu.sync_copy(ordh, ordl)

    far = jnp.full((_L,), _FAR, jnp.float32)

    def initk(i, c):
        sl = pl.ds(i * _L, _L)
        kx1[sl] = far
        ky1[sl] = far
        kx2[sl] = far
        ky2[sl] = far
        kar[sl] = fone
        return c
    lax.fori_loop(0, _NPAD // _L, initk, 0)

    @pl.when(w == 0)
    def _():
        def initkv(i, c):
            keepv[pl.ds(i * _L, _L)] = jnp.zeros((_L,), jnp.float32)
            ksc_v[pl.ds(i * _L, _L)] = jnp.zeros((_L,), jnp.float32)
            return c
        lax.fori_loop(0, _NPAD // _L, initkv, 0)

    p1 = w * _L
    p2 = (2 * _NW - 1 - w) * _L

    def block_body(jb, k_count):
        base = jb * _B

        orda = ordl[pl.ds(base + p1, _L)]
        ordb = ordl[pl.ds(base + p2, _L)]
        ca_x1 = plsc.load_gather(x1, [orda])
        ca_y1 = plsc.load_gather(y1, [orda])
        ca_x2 = plsc.load_gather(x2, [orda])
        ca_y2 = plsc.load_gather(y2, [orda])
        cb_x1 = plsc.load_gather(x1, [ordb])
        cb_y1 = plsc.load_gather(y1, [ordb])
        cb_x2 = plsc.load_gather(x2, [ordb])
        cb_y2 = plsc.load_gather(y2, [ordb])
        ca_ar = (ca_x2 - ca_x1) * (ca_y2 - ca_y1)
        cb_ar = (cb_x2 - cb_x1) * (cb_y2 - cb_y1)

        def scan_one(t, sa, sb):
            kx1v = _splat_gather(kx1, t)
            ky1v = _splat_gather(ky1, t)
            kx2v = _splat_gather(kx2, t)
            ky2v = _splat_gather(ky2, t)
            karv = _splat_gather(kar, t)

            wa = jnp.maximum(jnp.minimum(ca_x2, kx2v) - jnp.maximum(ca_x1, kx1v), 0.0)
            ha = jnp.maximum(jnp.minimum(ca_y2, ky2v) - jnp.maximum(ca_y1, ky1v), 0.0)
            ia = wa * ha
            sa = sa | (ia > 0.5 * (ca_ar + karv - ia))

            wb = jnp.maximum(jnp.minimum(cb_x2, kx2v) - jnp.maximum(cb_x1, kx1v), 0.0)
            hb = jnp.maximum(jnp.minimum(cb_y2, ky2v) - jnp.maximum(cb_y1, ky1v), 0.0)
            ib = wb * hb
            sb = sb | (ib > 0.5 * (cb_ar + karv - ib))
            return sa, sb

        def scan_kept2(t, sup):
            sa, sb = sup
            sa, sb = scan_one(2 * t, sa, sb)
            sa, sb = scan_one(2 * t + 1, sa, sb)
            return sa, sb

        sup_a, sup_b = lax.fori_loop(0, (k_count + 1) // 2, scan_kept2,
                                     (ffalse, ffalse))
        stage[pl.ds(0, _L)] = jnp.where(sup_a, 0, 1).astype(jnp.int32)
        stage[pl.ds(_L, _L)] = jnp.where(sup_b, 0, 1).astype(jnp.int32)
        pltpu.sync_copy(stage.at[pl.ds(0, _L)], alive_sh.at[pl.ds(p1, _L)])
        pltpu.sync_copy(stage.at[pl.ds(_L, _L)], alive_sh.at[pl.ds(p2, _L)])
        plsc.subcore_barrier()

        pltpu.sync_copy(alive_sh, alive_l)
        mypos_a = lanes + p1
        mypos_b = lanes + p2
        basev = jnp.full((_L,), base, jnp.int32)

        def a2_scan(cx1, cy1, cx2, cy2, car, mypos):
            def step(t, s2):
                alive_q = _splat_gather(alive_l, t) != 0
                qpos = jnp.full((_L,), t, jnp.int32)
                oq = plsc.load_gather(ordl, [basev + qpos])
                qx1 = plsc.load_gather(x1, [oq])
                qy1 = plsc.load_gather(y1, [oq])
                qx2 = plsc.load_gather(x2, [oq])
                qy2 = plsc.load_gather(y2, [oq])
                qar = (qx2 - qx1) * (qy2 - qy1)
                wv = jnp.maximum(jnp.minimum(cx2, qx2) - jnp.maximum(cx1, qx1), 0.0)
                hv = jnp.maximum(jnp.minimum(cy2, qy2) - jnp.maximum(cy1, qy1), 0.0)
                iv = wv * hv
                return s2 | ((iv > 0.5 * (car + qar - iv)) & alive_q
                             & (qpos < mypos))
            return step

        sup2_a = lax.fori_loop(0, p1 + _L,
                               a2_scan(ca_x1, ca_y1, ca_x2, ca_y2, ca_ar,
                                       mypos_a), ffalse)
        sup2_b = lax.fori_loop(0, p2 + _L,
                               a2_scan(cb_x1, cb_y1, cb_x2, cb_y2, cb_ar,
                                       mypos_b), ffalse)
        stat_a = jnp.where(sup_a, 0, jnp.where(sup2_a, 2, 1)).astype(jnp.int32)
        stat_b = jnp.where(sup_b, 0, jnp.where(sup2_b, 2, 1)).astype(jnp.int32)
        stage[pl.ds(0, _L)] = stat_a
        stage[pl.ds(_L, _L)] = stat_b
        pltpu.sync_copy(stage.at[pl.ds(0, _L)], stat_sh.at[pl.ds(p1, _L)])
        pltpu.sync_copy(stage.at[pl.ds(_L, _L)], stat_sh.at[pl.ds(p2, _L)])
        plsc.subcore_barrier()

        @pl.when(w == 0)
        def _():
            pltpu.sync_copy(stat_sh, stat_l)

            def initb(i, c):
                bidx_l[pl.ds(i * _L, _L)] = jnp.zeros((_L,), jnp.int32)
                return c
            lax.fori_loop(0, _B // _L, initb, 0)

            def res_vreg(v, c0):
                sv = stat_l[pl.ds(v * _L, _L)]
                um = sv == 2

                def process(c1):
                    def wbody(carry):
                        _, m = carry
                        iv = plsc.all_reduce_ffs(m)
                        m2 = m & (lanes != iv)
                        pv = jnp.full((_L,), v * _L, jnp.int32) + iv
                        gv = basev + pv
                        ov = plsc.load_gather(ordl, [gv])
                        cx1 = plsc.load_gather(x1, [ov])
                        cy1 = plsc.load_gather(y1, [ov])
                        cx2 = plsc.load_gather(x2, [ov])
                        cy2 = plsc.load_gather(y2, [ov])
                        car = (cx2 - cx1) * (cy2 - cy1)

                        def inner(t, sup):
                            sl = pl.ds(base + t * _L, _L)
                            sv2 = stat_l[pl.ds(t * _L, _L)]
                            posv = lanes + t * _L
                            ordv2 = ordl[sl]
                            ex1 = plsc.load_gather(x1, [ordv2])
                            ey1 = plsc.load_gather(y1, [ordv2])
                            ex2 = plsc.load_gather(x2, [ordv2])
                            ey2 = plsc.load_gather(y2, [ordv2])
                            ear = (ex2 - ex1) * (ey2 - ey1)
                            wv = jnp.maximum(jnp.minimum(cx2, ex2)
                                             - jnp.maximum(cx1, ex1), 0.0)
                            hv = jnp.maximum(jnp.minimum(cy2, ey2)
                                             - jnp.maximum(cy1, ey1), 0.0)
                            ivr = wv * hv
                            hit = (ivr > 0.5 * (car + ear - ivr))
                            return sup | (hit & (sv2 == 1) & (posv < pv))

                        sup = lax.fori_loop(0, v + 1, inner, ffalse)
                        supi = jnp.any(sup).astype(jnp.int32)
                        val = jnp.full((_L,), 1, jnp.int32) - supi
                        plsc.store_scatter(stat_l, [pv], val, mask=lane0)
                        return (c1, m2)

                    return lax.while_loop(lambda c: jnp.any(c[1]), wbody,
                                          (c1, um))[0]

                return lax.cond(jnp.any(um), process, lambda c: c, c0)

            lax.fori_loop(0, _B // _L, res_vreg, 0)

            def cmp_vreg(v, nb0):
                sv = stat_l[pl.ds(v * _L, _L)]
                km = sv == 1

                def process(nb1):
                    def wbody(carry):
                        nbc, m = carry
                        iv = plsc.all_reduce_ffs(m)
                        m2 = m & (lanes != iv)
                        pv = jnp.full((_L,), v * _L, jnp.int32) + iv
                        nv = jnp.full((_L,), nbc, jnp.int32)
                        plsc.store_scatter(bidx_l, [nv], pv, mask=lane0)
                        plsc.store_scatter(keepv, [basev + pv], fone, mask=lane0)
                        return (nbc + 1, m2)

                    return lax.while_loop(lambda c: jnp.any(c[1]), wbody,
                                          (nb1, km))[0]

                return lax.cond(jnp.any(km), process, lambda n: n, nb0)

            bk = lax.fori_loop(0, _B // _L, cmp_vreg, 0)
            pltpu.sync_copy(bidx_l, bidx_sh)
            stage[pl.ds(0, _L)] = jnp.full((_L,), bk, jnp.int32)
            pltpu.sync_copy(stage.at[pl.ds(0, _L)], knew_sh)

        plsc.subcore_barrier()

        pltpu.sync_copy(knew_sh, knew_l)
        nb = jnp.max(knew_l[pl.ds(0, _L)])
        pltpu.sync_copy(bidx_sh, bidx_l)

        def append_delta(t, c):
            idxv = basev + bidx_l[pl.ds(t * _L, _L)]
            m = (lanes + t * _L) < nb
            kvec = lanes + (k_count + t * _L)
            ov = plsc.load_gather(ordl, [idxv])
            gx1 = plsc.load_gather(x1, [ov])
            gy1 = plsc.load_gather(y1, [ov])
            gx2 = plsc.load_gather(x2, [ov])
            gy2 = plsc.load_gather(y2, [ov])
            sv = plsc.load_gather(scu, [ov])
            plsc.store_scatter(ksc_v, [idxv], sv, mask=m)
            plsc.store_scatter(kx1, [kvec], gx1, mask=m)
            plsc.store_scatter(ky1, [kvec], gy1, mask=m)
            plsc.store_scatter(kx2, [kvec], gx2, mask=m)
            plsc.store_scatter(ky2, [kvec], gy2, mask=m)
            plsc.store_scatter(kar, [kvec], (gx2 - gx1) * (gy2 - gy1), mask=m)
            return c

        lax.fori_loop(0, (nb + _L - 1) // _L, append_delta, 0)
        return k_count + nb

    lax.fori_loop(0, _NB, block_body, 0)

    @pl.when(w == 0)
    def _():
        pltpu.sync_copy(keepv, keep_h)
        pltpu.sync_copy(ksc_v, ksc_h)


@jax.jit
def _nms_run(x1u, y1u, x2u, y2u, sc, orderp):
    mesh = plsc.VectorSubcoreMesh(core_axis_name="c", subcore_axis_name="s",
                                  num_cores=1)
    f = pl.kernel(
        _nms_body,
        out_type=(jax.ShapeDtypeStruct((_NPAD,), jnp.float32),
                  jax.ShapeDtypeStruct((_NPAD,), jnp.float32)),
        mesh=mesh,
        scratch_types=(
            [pltpu.VMEM((_NPAD,), jnp.float32) for _ in range(4)]
            + [pltpu.VMEM((_NPAD,), jnp.float32)]
            + [pltpu.VMEM((_NPAD,), jnp.int32)]
            + [pltpu.VMEM((_NPAD,), jnp.float32) for _ in range(5)]
            + [pltpu.VMEM((_B,), jnp.int32)]
            + [pltpu.VMEM((_B,), jnp.int32)]
            + [pltpu.VMEM((_B,), jnp.int32)]
            + [pltpu.VMEM((_NPAD,), jnp.float32)]
            + [pltpu.VMEM((_NPAD,), jnp.float32)]
            + [pltpu.VMEM((_L * _U,), jnp.int32)]
            + [pltpu.VMEM((_L,), jnp.int32)]
            + [pltpu.VMEM_SHARED((_B,), jnp.int32)]
            + [pltpu.VMEM_SHARED((_B,), jnp.int32)]
            + [pltpu.VMEM_SHARED((_B,), jnp.int32)]
            + [pltpu.VMEM_SHARED((_L,), jnp.int32)]
        ),
        compiler_params=pltpu.CompilerParams(needs_layout_passes=False),
    )
    return f(x1u, y1u, x2u, y2u, sc, orderp)


def kernel(boxes, scores):
    order = jnp.argsort(-scores)
    pad = _NPAD - boxes.shape[0]
    orderp = jnp.concatenate(
        [order, jnp.full((pad,), order[0], order.dtype)], axis=0)
    bp = jnp.pad(boxes, ((0, pad), (0, 0)))
    sp = jnp.pad(scores, (0, pad))
    keep01, ksc = _nms_run(bp[:, 0], bp[:, 1], bp[:, 2], bp[:, 3], sp, orderp)
    keep = keep01[:_N] > 0.5
    kept_scores = ksc[:_N]
    return kept_scores, keep, order

# --- scband reference (transcript-rebuilt; emitter-appended) ---
"""Pipeline reference for scband-point-rcnn-63196148793623 (READ-ONLY COPY).

The authoritative reference and input builder live on the scoring server;
editing this copy changes nothing except your own understanding.
"""

import jax, jax.numpy as jnp
import numpy as np

N = 5000
IOU_THRESH = 0.5


def setup_inputs(seed: int = 0) -> dict:
    key = jax.random.key(seed)
    k1, k2, k3 = jax.random.split(key, 3)
    centers = jax.random.uniform(k1, (N, 2), minval=0.0, maxval=512.0)
    sizes = jax.random.uniform(k2, (N, 2), minval=8.0, maxval=96.0)
    boxes = jnp.concatenate([centers - sizes / 2.0, centers + sizes / 2.0], axis=-1)
    scores = jax.random.uniform(k3, (N,), minval=0.0, maxval=1.0)
    return {"boxes": boxes, "scores": scores}


def _pairwise_iou(boxes):
    x1, y1, x2, y2 = boxes[:, 0], boxes[:, 1], boxes[:, 2], boxes[:, 3]
    area = (x2 - x1) * (y2 - y1)
    xx1 = jnp.maximum(x1[:, None], x1[None, :])
    yy1 = jnp.maximum(y1[:, None], y1[None, :])
    xx2 = jnp.minimum(x2[:, None], x2[None, :])
    yy2 = jnp.minimum(y2[:, None], y2[None, :])
    w = jnp.clip(xx2 - xx1, 0.0)
    h = jnp.clip(yy2 - yy1, 0.0)
    inter = w * h
    union = area[:, None] + area[None, :] - inter
    return inter / jnp.maximum(union, 1e-8)


def _greedy_nms_keep(boxes_sorted):
    # boxes already sorted by descending score; sequential greedy suppression
    n = boxes_sorted.shape[0]
    iou = _pairwise_iou(boxes_sorted)
    idx = jnp.arange(n)

    def body(i, keep):
        sup = (iou[i] > IOU_THRESH) & (idx > i)
        return jnp.where(keep[i], keep & (~sup), keep)

    keep = jax.lax.fori_loop(0, n, body, jnp.ones((n,), dtype=bool))
    return keep


def reference(boxes, scores):
    # Faithful greedy NMS proposal filtering (core of PointRCNN's proposal_layer):
    # sort proposals by objectness score, compute pairwise IoU, sequentially
    # suppress lower-scoring overlapping proposals, return kept scores + mask.
    order = jnp.argsort(-scores)
    boxes_sorted = boxes[order]
    scores_sorted = scores[order]
    keep = _greedy_nms_keep(boxes_sorted)
    kept_scores = scores_sorted * keep.astype(scores_sorted.dtype)
    return kept_scores, keep, order

if __name__ == "__main__":
    import jax
    _d = setup_inputs()
    print(jax.jit(kernel)(*tuple(_d.values())))

</pallas_src>

<mosaic_0001>
#map = affine_map<(d0, d1) -> (0)>
module attributes {stable_mosaic.version = 14 : i64} {
  func.func @_nms_body(%arg0: i32, %arg1: i32, %arg2: memref<5120xf32, #tpu.memory_space<hbm>>, %arg3: memref<5120xf32, #tpu.memory_space<hbm>>, %arg4: memref<5120xf32, #tpu.memory_space<hbm>>, %arg5: memref<5120xf32, #tpu.memory_space<hbm>>, %arg6: memref<5120xf32, #tpu.memory_space<hbm>>, %arg7: memref<5120xi32, #tpu.memory_space<hbm>>, %arg8: memref<5120xf32, #tpu.memory_space<hbm>>, %arg9: memref<5120xf32, #tpu.memory_space<hbm>>, %arg10: memref<5120xf32, #tpu.memory_space<vmem>>, %arg11: memref<5120xf32, #tpu.memory_space<vmem>>, %arg12: memref<5120xf32, #tpu.memory_space<vmem>>, %arg13: memref<5120xf32, #tpu.memory_space<vmem>>, %arg14: memref<5120xf32, #tpu.memory_space<vmem>>, %arg15: memref<5120xi32, #tpu.memory_space<vmem>>, %arg16: memref<5120xf32, #tpu.memory_space<vmem>>, %arg17: memref<5120xf32, #tpu.memory_space<vmem>>, %arg18: memref<5120xf32, #tpu.memory_space<vmem>>, %arg19: memref<5120xf32, #tpu.memory_space<vmem>>, %arg20: memref<5120xf32, #tpu.memory_space<vmem>>, %arg21: memref<512xi32, #tpu.memory_space<vmem>>, %arg22: memref<512xi32, #tpu.memory_space<vmem>>, %arg23: memref<512xi32, #tpu.memory_space<vmem>>, %arg24: memref<5120xf32, #tpu.memory_space<vmem>>, %arg25: memref<5120xf32, #tpu.memory_space<vmem>>, %arg26: memref<32xi32, #tpu.memory_space<vmem>>, %arg27: memref<16xi32, #tpu.memory_space<vmem>>, %arg28: memref<512xi32, #tpu.memory_space<vmem_shared>>, %arg29: memref<512xi32, #tpu.memory_space<vmem_shared>>, %arg30: memref<512xi32, #tpu.memory_space<vmem_shared>>, %arg31: memref<16xi32, #tpu.memory_space<vmem_shared>>) attributes {dimension_semantics = [#tpu.dimension_semantics<core_parallel>, #tpu.dimension_semantics<subcore_parallel>], iteration_bounds = array<i64: 1, 16>, scalar_prefetch = 0 : i64, scratch_operands = 22 : i64, tpu.core_type = #tpu.core_type<sc_vector_subcore>, window_params = [{transform_indices = #map}, {transform_indices = #map}, {transform_indices = #map}, {transform_indices = #map}, {transform_indices = #map}, {transform_indices = #map}, {transform_indices = #map}, {transform_indices = #map}]} {
    %iota3A = tpu.iota {dimensions = array<i32: 0>} : vector<16xi32>
    %eq3A = arith.constant 0 : i32
    %eq3A_0 = vector.broadcast %eq3A : i32 to vector<16xi32>
    %eq3A_1 = arith.cmpi eq, %iota3A, %eq3A_0 : vector<16xi32>
    %lt3A = arith.constant 0 : i32
    %lt3A_2 = vector.broadcast %lt3A : i32 to vector<16xi32>
    %lt3A_3 = arith.cmpi slt, %iota3A, %lt3A_2 : vector<16xi32>
    %broadcast_in_dim3A = arith.constant 1.000000e+00 : f32
    %broadcast_in_dim3A_4 = vector.broadcast %broadcast_in_dim3A : f32 to vector<16xf32>
    "tpu.region"() ({
      %run_scoped3A = tpu.sem_alloc : memref<!tpu.dma_semaphore, #tpu.memory_space<semaphore_mem>>
      tpu.enqueue_dma source(%arg2 : memref<5120xf32, #tpu.memory_space<hbm>>) target(%arg10 : memref<5120xf32, #tpu.memory_space<vmem>>) target_semaphore(%run_scoped3A : memref<!tpu.dma_semaphore, #tpu.memory_space<semaphore_mem>>)
      tpu.wait_dma2 semaphore(%run_scoped3A : memref<!tpu.dma_semaphore, #tpu.memory_space<semaphore_mem>>) src(%arg2 : memref<5120xf32, #tpu.memory_space<hbm>>) dst(%arg10 : memref<5120xf32, #tpu.memory_space<vmem>>)
      tpu.yield
    }) : () -> ()
    "tpu.region"() ({
      %run_scoped3A = tpu.sem_alloc : memref<!tpu.dma_semaphore, #tpu.memory_space<semaphore_mem>>
      tpu.enqueue_dma source(%arg3 : memref<5120xf32, #tpu.memory_space<hbm>>) target(%arg11 : memref<5120xf32, #tpu.memory_space<vmem>>) target_semaphore(%run_scoped3A : memref<!tpu.dma_semaphore, #tpu.memory_space<semaphore_mem>>)
      tpu.wait_dma2 semaphore(%run_scoped3A : memref<!tpu.dma_semaphore, #tpu.memory_space<semaphore_mem>>) src(%arg3 : memref<5120xf32, #tpu.memory_space<hbm>>) dst(%arg11 : memref<5120xf32, #tpu.memory_space<vmem>>)
      tpu.yield
    }) : () -> ()
    "tpu.region"() ({
      %run_scoped3A = tpu.sem_alloc : memref<!tpu.dma_semaphore, #tpu.memory_space<semaphore_mem>>
      tpu.enqueue_dma source(%arg4 : memref<5120xf32, #tpu.memory_space<hbm>>) target(%arg12 : memref<5120xf32, #tpu.memory_space<vmem>>) target_semaphore(%run_scoped3A : memref<!tpu.dma_semaphore, #tpu.memory_space<semaphore_mem>>)
      tpu.wait_dma2 semaphore(%run_scoped3A : memref<!tpu.dma_semaphore, #tpu.memory_space<semaphore_mem>>) src(%arg4 : memref<5120xf32, #tpu.memory_space<hbm>>) dst(%arg12 : memref<5120xf32, #tpu.memory_space<vmem>>)
      tpu.yield
    }) : () -> ()
    "tpu.region"() ({
      %run_scoped3A = tpu.sem_alloc : memref<!tpu.dma_semaphore, #tpu.memory_space<semaphore_mem>>
      tpu.enqueue_dma source(%arg5 : memref<5120xf32, #tpu.memory_space<hbm>>) target(%arg13 : memref<5120xf32, #tpu.memory_space<vmem>>) target_semaphore(%run_scoped3A : memref<!tpu.dma_semaphore, #tpu.memory_space<semaphore_mem>>)
      tpu.wait_dma2 semaphore(%run_scoped3A : memref<!tpu.dma_semaphore, #tpu.memory_space<semaphore_mem>>) src(%arg5 : memref<5120xf32, #tpu.memory_space<hbm>>) dst(%arg13 : memref<5120xf32, #tpu.memory_space<vmem>>)
      tpu.yield
    }) : () -> ()
    "tpu.region"() ({
      %run_scoped3A = tpu.sem_alloc : memref<!tpu.dma_semaphore, #tpu.memory_space<semaphore_mem>>
      tpu.enqueue_dma source(%arg6 : memref<5120xf32, #tpu.memory_space<hbm>>) target(%arg14 : memref<5120xf32, #tpu.memory_space<vmem>>) target_semaphore(%run_scoped3A : memref<!tpu.dma_semaphore, #tpu.memory_space<semaphore_mem>>)
      tpu.wait_dma2 semaphore(%run_scoped3A : memref<!tpu.dma_semaphore, #tpu.memory_space<semaphore_mem>>) src(%arg6 : memref<5120xf32, #tpu.memory_space<hbm>>) dst(%arg14 : memref<5120xf32, #tpu.memory_space<vmem>>)
      tpu.yield
    }) : () -> ()
    "tpu.region"() ({
      %run_scoped3A = tpu.sem_alloc : memref<!tpu.dma_semaphore, #tpu.memory_space<semaphore_mem>>
      tpu.enqueue_dma source(%arg7 : memref<5120xi32, #tpu.memory_space<hbm>>) target(%arg15 : memref<5120xi32, #tpu.memory_space<vmem>>) target_semaphore(%run_scoped3A : memref<!tpu.dma_semaphore, #tpu.memory_space<semaphore_mem>>)
      tpu.wait_dma2 semaphore(%run_scoped3A : memref<!tpu.dma_semaphore, #tpu.memory_space<semaphore_mem>>) src(%arg7 : memref<5120xi32, #tpu.memory_space<hbm>>) dst(%arg15 : memref<5120xi32, #tpu.memory_space<vmem>>)
      tpu.yield
    }) : () -> ()
    %broadcast_in_dim3A_5 = arith.constant 2.000000e+09 : f32
    %broadcast_in_dim3A_6 = vector.broadcast %broadcast_in_dim3A_5 : f32 to vector<16xf32>
    %scan3A = arith.constant 0 : i32
    %scan3A_7 = arith.constant 0 : i32
    %scan3A_8 = arith.constant 320 : i32
    %scan3A_9 = arith.addi %scan3A_7, %scan3A_8 : i32
    %scan3A_10 = arith.constant 1 : i32
    scf.for %scan3A_31 = %scan3A_7 to %scan3A_9 step %scan3A_10  : i32 {
      %mul3A_32 = arith.constant 16 : i32
      %mul3A_33 = arith.muli %scan3A_31, %mul3A_32 : i32
      %swap3A = arith.index_cast %mul3A_33 : i32 to index
      %swap3A_34 = tpu.vector_load %arg16[%swap3A] {strides = array<i32>} : memref<5120xf32, #tpu.memory_space<vmem>>, vector<16xf32>,
      tpu.vector_store %arg16[%swap3A], %broadcast_in_dim3A_6 {strides = array<i32>} : memref<5120xf32, #tpu.memory_space<vmem>>, vector<16xf32>,
      %swap3A_35 = arith.index_cast %mul3A_33 : i32 to index
      %swap3A_36 = tpu.vector_load %arg17[%swap3A_35] {strides = array<i32>} : memref<5120xf32, #tpu.memory_space<vmem>>, vector<16xf32>,
      tpu.vector_store %arg17[%swap3A_35], %broadcast_in_dim3A_6 {strides = array<i32>} : memref<5120xf32, #tpu.memory_space<vmem>>, vector<16xf32>,
      %swap3A_37 = arith.index_cast %mul3A_33 : i32 to index
      %swap3A_38 = tpu.vector_load %arg18[%swap3A_37] {strides = array<i32>} : memref<5120xf32, #tpu.memory_space<vmem>>, vector<16xf32>,
      tpu.vector_store %arg18[%swap3A_37], %broadcast_in_dim3A_6 {strides = array<i32>} : memref<5120xf32, #tpu.memory_space<vmem>>, vector<16xf32>,
      %swap3A_39 = arith.index_cast %mul3A_33 : i32 to index
      %swap3A_40 = tpu.vector_load %arg19[%swap3A_39] {strides = array<i32>} : memref<5120xf32, #tpu.memory_space<vmem>>, vector<16xf32>,
      tpu.vector_store %arg19[%swap3A_39], %broadcast_in_dim3A_6 {strides = array<i32>} : memref<5120xf32, #tpu.memory_space<vmem>>, vector<16xf32>,
      %swap3A_41 = arith.index_cast %mul3A_33 : i32 to index
      %swap3A_42 = tpu.vector_load %arg20[%swap3A_41] {strides = array<i32>} : memref<5120xf32, #tpu.memory_space<vmem>>, vector<16xf32>,
      tpu.vector_store %arg20[%swap3A_41], %broadcast_in_dim3A_4 {strides = array<i32>} : memref<5120xf32, #tpu.memory_space<vmem>>, vector<16xf32>,
    }
    %scan3A_11 = arith.constant 320 : i32
    %eq3A_12 = arith.constant 0 : i32
    %eq3A_13 = arith.cmpi eq, %arg1, %eq3A_12 : i32
    %convert_element_type3A = arith.extui %eq3A_13 : i1 to i32
    %cond3A = arith.constant 0 : i32
    %cond3A_14 = arith.cmpi ne, %convert_element_type3A, %cond3A : i32
    scf.if %cond3A_14 {
      %scan3A_31 = arith.constant 0 : i32
      %scan3A_32 = arith.constant 0 : i32
      %scan3A_33 = arith.constant 320 : i32
      %scan3A_34 = arith.addi %scan3A_32, %scan3A_33 : i32
      %scan3A_35 = arith.constant 1 : i32
      scf.for %scan3A_37 = %scan3A_32 to %scan3A_34 step %scan3A_35  : i32 {
        %broadcast_in_dim3A_38 = arith.constant 0.000000e+00 : f32
        %broadcast_in_dim3A_39 = vector.broadcast %broadcast_in_dim3A_38 : f32 to vector<16xf32>
        %mul3A_40 = arith.constant 16 : i32
        %mul3A_41 = arith.muli %scan3A_37, %mul3A_40 : i32
        %swap3A = arith.index_cast %mul3A_41 : i32 to index
        %swap3A_42 = tpu.vector_load %arg24[%swap3A] {strides = array<i32>} : memref<5120xf32, #tpu.memory_space<vmem>>, vector<16xf32>,
        tpu.vector_store %arg24[%swap3A], %broadcast_in_dim3A_39 {strides = array<i32>} : memref<5120xf32, #tpu.memory_space<vmem>>, vector<16xf32>,
        %broadcast_in_dim3A_43 = arith.constant 0.000000e+00 : f32
        %broadcast_in_dim3A_44 = vector.broadcast %broadcast_in_dim3A_43 : f32 to vector<16xf32>
        %mul3A_45 = arith.constant 16 : i32
        %mul3A_46 = arith.muli %scan3A_37, %mul3A_45 : i32
        %swap3A_47 = arith.index_cast %mul3A_46 : i32 to index
        %swap3A_48 = tpu.vector_load %arg25[%swap3A_47] {strides = array<i32>} : memref<5120xf32, #tpu.memory_space<vmem>>, vector<16xf32>,
        tpu.vector_store %arg25[%swap3A_47], %broadcast_in_dim3A_44 {strides = array<i32>} : memref<5120xf32, #tpu.memory_space<vmem>>, vector<16xf32>,
      }
      %scan3A_36 = arith.constant 320 : i32
    } else {
    }
    %mul3A = arith.constant 16 : i32
    %mul3A_15 = arith.muli %arg1, %mul3A : i32
    %sub3A = arith.constant 31 : i32
    %sub3A_16 = arith.subi %sub3A, %arg1 : i32
    %mul3A_17 = arith.constant 16 : i32
    %mul3A_18 = arith.muli %sub3A_16, %mul3A_17 : i32
    %scan3A_19 = arith.constant 0 : i32
    %scan3A_20 = arith.constant 0 : i32
    %scan3A_21 = arith.constant 10 : i32
    %scan3A_22 = arith.addi %scan3A_20, %scan3A_21 : i32
    %scan3A_23 = arith.constant 1 : i32
    %scan3A_24 = scf.for %scan3A_31 = %scan3A_20 to %scan3A_22 step %scan3A_23 iter_args(%scan3A_32 = %scan3A_19) -> (i32)  : i32 {
      %mul3A_33 = arith.constant 512 : i32
      %mul3A_34 = arith.muli %scan3A_31, %mul3A_33 : i32
      %add3A = arith.addi %mul3A_34, %mul3A_15 : i32
      %get3A = arith.index_cast %add3A : i32 to index
      %get3A_35 = tpu.vector_load %arg15[%get3A] {strides = array<i32>} : memref<5120xi32, #tpu.memory_space<vmem>>, vector<16xi32>,
      %add3A_36 = arith.addi %mul3A_34, %mul3A_18 : i32
      %get3A_37 = arith.index_cast %add3A_36 : i32 to index
      %get3A_38 = tpu.vector_load %arg15[%get3A_37] {strides = array<i32>} : memref<5120xi32, #tpu.memory_space<vmem>>, vector<16xi32>,
      %gather3A = tpu.vector_load_idx %arg10[%get3A_35] : memref<5120xf32, #tpu.memory_space<vmem>>[vector<16xi32>], vector<16xf32>,
      %gather3A_39 = tpu.vector_load_idx %arg11[%get3A_35] : memref<5120xf32, #tpu.memory_space<vmem>>[vector<16xi32>], vector<16xf32>,
      %gather3A_40 = tpu.vector_load_idx %arg12[%get3A_35] : memref<5120xf32, #tpu.memory_space<vmem>>[vector<16xi32>], vector<16xf32>,
      %gather3A_41 = tpu.vector_load_idx %arg13[%get3A_35] : memref<5120xf32, #tpu.memory_space<vmem>>[vector<16xi32>], vector<16xf32>,
      %gather3A_42 = tpu.vector_load_idx %arg10[%get3A_38] : memref<5120xf32, #tpu.memory_space<vmem>>[vector<16xi32>], vector<16xf32>,
      %gather3A_43 = tpu.vector_load_idx %arg11[%get3A_38] : memref<5120xf32, #tpu.memory_space<vmem>>[vector<16xi32>], vector<16xf32>,
      %gather3A_44 = tpu.vector_load_idx %arg12[%get3A_38] : memref<5120xf32, #tpu.memory_space<vmem>>[vector<16xi32>], vector<16xf32>,
      %gather3A_45 = tpu.vector_load_idx %arg13[%get3A_38] : memref<5120xf32, #tpu.memory_space<vmem>>[vector<16xi32>], vector<16xf32>,
      %sub3A_46 = arith.subf %gather3A_40, %gather3A : vector<16xf32>
      %sub3A_47 = arith.subf %gather3A_41, %gather3A_39 : vector<16xf32>
      %mul3A_48 = arith.mulf %sub3A_46, %sub3A_47 : vector<16xf32>
      %sub3A_49 = arith.subf %gather3A_44, %gather3A_42 : vector<16xf32>
      %sub3A_50 = arith.subf %gather3A_45, %gather3A_43 : vector<16xf32>
      %mul3A_51 = arith.mulf %sub3A_49, %sub3A_50 : vector<16xf32>
      %add3A_52 = arith.constant 1 : i32
      %add3A_53 = arith.addi %scan3A_32, %add3A_52 : i32
      %jit3A = arith.constant 2 : i32
      %div3A = arith.divsi %add3A_53, %jit3A : i32
      %sign3A = arith.constant 0 : i32
      %sign3A_54 = arith.cmpi sgt, %add3A_53, %sign3A : i32
      %sign3A_55 = arith.extui %sign3A_54 : i1 to i32
      %sign3A_56 = arith.constant 0 : i32
      %sign3A_57 = arith.cmpi slt, %add3A_53, %sign3A_56 : i32
      %sign3A_58 = arith.extui %sign3A_57 : i1 to i32
      %sign3A_59 = arith.subi %sign3A_55, %sign3A_58 : i32
      %sign3A_60 = arith.constant 0 : i32
      %sign3A_61 = arith.cmpi sgt, %jit3A, %sign3A_60 : i32
      %sign3A_62 = arith.extui %sign3A_61 : i1 to i32
      %sign3A_63 = arith.constant 0 : i32
      %sign3A_64 = arith.cmpi slt, %jit3A, %sign3A_63 : i32
      %sign3A_65 = arith.extui %sign3A_64 : i1 to i32
      %sign3A_66 = arith.subi %sign3A_62, %sign3A_65 : i32
      %ne3A = arith.cmpi ne, %sign3A_59, %sign3A_66 : i32
      %rem3A = arith.remsi %add3A_53, %jit3A : i32
      %ne3A_67 = arith.constant 0 : i32
      %ne3A_68 = arith.cmpi ne, %rem3A, %ne3A_67 : i32
      %and3A = arith.andi %ne3A, %ne3A_68 : i1
      %sub3A_69 = arith.constant 1 : i32
      %sub3A_70 = arith.subi %div3A, %sub3A_69 : i32
      %select_n3A = arith.select %and3A, %sub3A_70, %div3A : i32
      %while3A = arith.constant 0 : i32
      %while3A_71 = arith.subi %select_n3A, %while3A : i32
      %while3A_72 = arith.addi %while3A, %while3A_71 : i32
      %while3A_73 = arith.constant 1 : i32
      %while3A_74 = arith.divsi %while3A_71, %while3A_73 : i32
      %while3A_75 = arith.muli %while3A_74, %while3A_73 : i32
      %while3A_76 = arith.addi %while3A, %while3A_75 : i32
      %while3A_77 = arith.constant 1 : i32
      %while3A_78:2 = scf.for %while3A_200 = %while3A to %while3A_76 step %while3A_77 iter_args(%while3A_201 = %lt3A_3, %while3A_202 = %lt3A_3) -> (vector<16xi1>, vector<16xi1>)  : i32 {
        %mul3A_203 = arith.constant 2 : i32
        %mul3A_204 = arith.muli %mul3A_203, %while3A_200 : i32
        %broadcast_in_dim3A_205 = vector.broadcast %mul3A_204 : i32 to vector<16xi32>
        %gather3A_206 = tpu.vector_load_idx %arg16[%broadcast_in_dim3A_205] : memref<5120xf32, #tpu.memory_space<vmem>>[vector<16xi32>], vector<16xf32>,
        %broadcast_in_dim3A_207 = vector.broadcast %mul3A_204 : i32 to vector<16xi32>
        %gather3A_208 = tpu.vector_load_idx %arg17[%broadcast_in_dim3A_207] : memref<5120xf32, #tpu.memory_space<vmem>>[vector<16xi32>], vector<16xf32>,
        %broadcast_in_dim3A_209 = vector.broadcast %mul3A_204 : i32 to vector<16xi32>
        %gather3A_210 = tpu.vector_load_idx %arg18[%broadcast_in_dim3A_209] : memref<5120xf32, #tpu.memory_space<vmem>>[vector<16xi32>], vector<16xf32>,
        %broadcast_in_dim3A_211 = vector.broadcast %mul3A_204 : i32 to vector<16xi32>
        %gather3A_212 = tpu.vector_load_idx %arg19[%broadcast_in_dim3A_211] : memref<5120xf32, #tpu.memory_space<vmem>>[vector<16xi32>], vector<16xf32>,
        %broadcast_in_dim3A_213 = vector.broadcast %mul3A_204 : i32 to vector<16xi32>
        %gather3A_214 = tpu.vector_load_idx %arg20[%broadcast_in_dim3A_213] : memref<5120xf32, #tpu.memory_space<vmem>>[vector<16xi32>], vector<16xf32>,
        %min3A = arith.minimumf %gather3A_40, %gather3A_210 : vector<16xf32>
        %max3A = arith.maximumf %gather3A, %gather3A_206 : vector<16xf32>
        %sub3A_215 = arith.subf %min3A, %max3A : vector<16xf32>
        %max3A_216 = arith.constant 0.000000e+00 : f32
        %max3A_217 = vector.broadcast %max3A_216 : f32 to vector<16xf32>
        %max3A_218 = arith.maximumf %sub3A_215, %max3A_217 : vector<16xf32>
        %min3A_219 = arith.minimumf %gather3A_41, %gather3A_212 : vector<16xf32>
        %max3A_220 = arith.maximumf %gather3A_39, %gather3A_208 : vector<16xf32>
        %sub3A_221 = arith.subf %min3A_219, %max3A_220 : vector<16xf32>
        %max3A_222 = arith.constant 0.000000e+00 : f32
        %max3A_223 = vector.broadcast %max3A_222 : f32 to vector<16xf32>
        %max3A_224 = arith.maximumf %sub3A_221, %max3A_223 : vector<16xf32>
        %mul3A_225 = arith.mulf %max3A_218, %max3A_224 : vector<16xf32>
        %add3A_226 = arith.addf %mul3A_48, %gather3A_214 : vector<16xf32>
        %sub3A_227 = arith.subf %add3A_226, %mul3A_225 : vector<16xf32>
        %mul3A_228 = arith.constant 5.000000e-01 : f32
        %mul3A_229 = vector.broadcast %mul3A_228 : f32 to vector<16xf32>
        %mul3A_230 = arith.mulf %mul3A_229, %sub3A_227 : vector<16xf32>
        %gt3A = arith.cmpf ogt, %mul3A_225, %mul3A_230 : vector<16xf32>
        %or3A = arith.ori %while3A_201, %gt3A : vector<16xi1>
        %min3A_231 = arith.minimumf %gather3A_44, %gather3A_210 : vector<16xf32>
        %max3A_232 = arith.maximumf %gather3A_42, %gather3A_206 : vector<16xf32>
        %sub3A_233 = arith.subf %min3A_231, %max3A_232 : vector<16xf32>
        %max3A_234 = arith.constant 0.000000e+00 : f32
        %max3A_235 = vector.broadcast %max3A_234 : f32 to vector<16xf32>
        %max3A_236 = arith.maximumf %sub3A_233, %max3A_235 : vector<16xf32>
        %min3A_237 = arith.minimumf %gather3A_45, %gather3A_212 : vector<16xf32>
        %max3A_238 = arith.maximumf %gather3A_43, %gather3A_208 : vector<16xf32>
        %sub3A_239 = arith.subf %min3A_237, %max3A_238 : vector<16xf32>
        %max3A_240 = arith.constant 0.000000e+00 : f32
        %max3A_241 = vector.broadcast %max3A_240 : f32 to vector<16xf32>
        %max3A_242 = arith.maximumf %sub3A_239, %max3A_241 : vector<16xf32>
        %mul3A_243 = arith.mulf %max3A_236, %max3A_242 : vector<16xf32>
        %add3A_244 = arith.addf %mul3A_51, %gather3A_214 : vector<16xf32>
        %sub3A_245 = arith.subf %add3A_244, %mul3A_243 : vector<16xf32>
        %mul3A_246 = arith.constant 5.000000e-01 : f32
        %mul3A_247 = vector.broadcast %mul3A_246 : f32 to vector<16xf32>
        %mul3A_248 = arith.mulf %mul3A_247, %sub3A_245 : vector<16xf32>
        %gt3A_249 = arith.cmpf ogt, %mul3A_243, %mul3A_248 : vector<16xf32>
        %or3A_250 = arith.ori %while3A_202, %gt3A_249 : vector<16xi1>
        %mul3A_251 = arith.constant 2 : i32
        %mul3A_252 = arith.muli %mul3A_251, %while3A_200 : i32
        %add3A_253 = arith.constant 1 : i32
        %add3A_254 = arith.addi %mul3A_252, %add3A_253 : i32
        %broadcast_in_dim3A_255 = vector.broadcast %add3A_254 : i32 to vector<16xi32>
        %gather3A_256 = tpu.vector_load_idx %arg16[%broadcast_in_dim3A_255] : memref<5120xf32, #tpu.memory_space<vmem>>[vector<16xi32>], vector<16xf32>,
        %broadcast_in_dim3A_257 = vector.broadcast %add3A_254 : i32 to vector<16xi32>
        %gather3A_258 = tpu.vector_load_idx %arg17[%broadcast_in_dim3A_257] : memref<5120xf32, #tpu.memory_space<vmem>>[vector<16xi32>], vector<16xf32>,
        %broadcast_in_dim3A_259 = vector.broadcast %add3A_254 : i32 to vector<16xi32>
        %gather3A_260 = tpu.vector_load_idx %arg18[%broadcast_in_dim3A_259] : memref<5120xf32, #tpu.memory_space<vmem>>[vector<16xi32>], vector<16xf32>,
        %broadcast_in_dim3A_261 = vector.broadcast %add3A_254 : i32 to vector<16xi32>
        %gather3A_262 = tpu.vector_load_idx %arg19[%broadcast_in_dim3A_261] : memref<5120xf32, #tpu.memory_space<vmem>>[vector<16xi32>], vector<16xf32>,
        %broadcast_in_dim3A_263 = vector.broadcast %add3A_254 : i32 to vector<16xi32>
        %gather3A_264 = tpu.vector_load_idx %arg20[%broadcast_in_dim3A_263] : memref<5120xf32, #tpu.memory_space<vmem>>[vector<16xi32>], vector<16xf32>,
        %min3A_265 = arith.minimumf %gather3A_40, %gather3A_260 : vector<16xf32>
        %max3A_266 = arith.maximumf %gather3A, %gather3A_256 : vector<16xf32>
        %sub3A_267 = arith.subf %min3A_265, %max3A_266 : vector<16xf32>
        %max3A_268 = arith.constant 0.000000e+00 : f32
        %max3A_269 = vector.broadcast %max3A_268 : f32 to vector<16xf32>
        %max3A_270 = arith.maximumf %sub3A_267, %max3A_269 : vector<16xf32>
        %min3A_271 = arith.minimumf %gather3A_41, %gather3A_262 : vector<16xf32>
        %max3A_272 = arith.maximumf %gather3A_39, %gather3A_258 : vector<16xf32>
        %sub3A_273 = arith.subf %min3A_271, %max3A_272 : vector<16xf32>
        %max3A_274 = arith.constant 0.000000e+00 : f32
        %max3A_275 = vector.broadcast %max3A_274 : f32 to vector<16xf32>
        %max3A_276 = arith.maximumf %sub3A_273, %max3A_275 : vector<16xf32>
        %mul3A_277 = arith.mulf %max3A_270, %max3A_276 : vector<16xf32>
        %add3A_278 = arith.addf %mul3A_48, %gather3A_264 : vector<16xf32>
        %sub3A_279 = arith.subf %add3A_278, %mul3A_277 : vector<16xf32>
        %mul3A_280 = arith.constant 5.000000e-01 : f32
        %mul3A_281 = vector.broadcast %mul3A_280 : f32 to vector<16xf32>
        %mul3A_282 = arith.mulf %mul3A_281, %sub3A_279 : vector<16xf32>
        %gt3A_283 = arith.cmpf ogt, %mul3A_277, %mul3A_282 : vector<16xf32>
        %or3A_284 = arith.ori %or3A, %gt3A_283 : vector<16xi1>
        %min3A_285 = arith.minimumf %gather3A_44, %gather3A_260 : vector<16xf32>
        %max3A_286 = arith.maximumf %gather3A_42, %gather3A_256 : vector<16xf32>
        %sub3A_287 = arith.subf %min3A_285, %max3A_286 : vector<16xf32>
        %max3A_288 = arith.constant 0.000000e+00 : f32
        %max3A_289 = vector.broadcast %max3A_288 : f32 to vector<16xf32>
        %max3A_290 = arith.maximumf %sub3A_287, %max3A_289 : vector<16xf32>
        %min3A_291 = arith.minimumf %gather3A_45, %gather3A_262 : vector<16xf32>
        %max3A_292 = arith.maximumf %gather3A_43, %gather3A_258 : vector<16xf32>
        %sub3A_293 = arith.subf %min3A_291, %max3A_292 : vector<16xf32>
        %max3A_294 = arith.constant 0.000000e+00 : f32
        %max3A_295 = vector.broadcast %max3A_294 : f32 to vector<16xf32>
        %max3A_296 = arith.maximumf %sub3A_293, %max3A_295 : vector<16xf32>
        %mul3A_297 = arith.mulf %max3A_290, %max3A_296 : vector<16xf32>
        %add3A_298 = arith.addf %mul3A_51, %gather3A_264 : vector<16xf32>
        %sub3A_299 = arith.subf %add3A_298, %mul3A_297 : vector<16xf32>
        %mul3A_300 = arith.constant 5.000000e-01 : f32
        %mul3A_301 = vector.broadcast %mul3A_300 : f32 to vector<16xf32>
        %mul3A_302 = arith.mulf %mul3A_301, %sub3A_299 : vector<16xf32>
        %gt3A_303 = arith.cmpf ogt, %mul3A_297, %mul3A_302 : vector<16xf32>
        %or3A_304 = arith.ori %or3A_250, %gt3A_303 : vector<16xi1>
        scf.yield %or3A_284, %or3A_304 : vector<16xi1>, vector<16xi1>
      }
      %while3A_79 = arith.constant 1 : i32
      %while3A_80:2 = scf.for %while3A_200 = %while3A_76 to %while3A_72 step %while3A_79 iter_args(%while3A_201 = %while3A_78#0, %while3A_202 = %while3A_78#1) -> (vector<16xi1>, vector<16xi1>)  : i32 {
        %mul3A_203 = arith.constant 2 : i32
        %mul3A_204 = arith.muli %mul3A_203, %while3A_200 : i32
        %broadcast_in_dim3A_205 = vector.broadcast %mul3A_204 : i32 to vector<16xi32>
        %gather3A_206 = tpu.vector_load_idx %arg16[%broadcast_in_dim3A_205] : memref<5120xf32, #tpu.memory_space<vmem>>[vector<16xi32>], vector<16xf32>,
        %broadcast_in_dim3A_207 = vector.broadcast %mul3A_204 : i32 to vector<16xi32>
        %gather3A_208 = tpu.vector_load_idx %arg17[%broadcast_in_dim3A_207] : memref<5120xf32, #tpu.memory_space<vmem>>[vector<16xi32>], vector<16xf32>,
        %broadcast_in_dim3A_209 = vector.broadcast %mul3A_204 : i32 to vector<16xi32>
        %gather3A_210 = tpu.vector_load_idx %arg18[%broadcast_in_dim3A_209] : memref<5120xf32, #tpu.memory_space<vmem>>[vector<16xi32>], vector<16xf32>,
        %broadcast_in_dim3A_211 = vector.broadcast %mul3A_204 : i32 to vector<16xi32>
        %gather3A_212 = tpu.vector_load_idx %arg19[%broadcast_in_dim3A_211] : memref<5120xf32, #tpu.memory_space<vmem>>[vector<16xi32>], vector<16xf32>,
        %broadcast_in_dim3A_213 = vector.broadcast %mul3A_204 : i32 to vector<16xi32>
        %gather3A_214 = tpu.vector_load_idx %arg20[%broadcast_in_dim3A_213] : memref<5120xf32, #tpu.memory_space<vmem>>[vector<16xi32>], vector<16xf32>,
        %min3A = arith.minimumf %gather3A_40, %gather3A_210 : vector<16xf32>
        %max3A = arith.maximumf %gather3A, %gather3A_206 : vector<16xf32>
        %sub3A_215 = arith.subf %min3A, %max3A : vector<16xf32>
        %max3A_216 = arith.constant 0.000000e+00 : f32
        %max3A_217 = vector.broadcast %max3A_216 : f32 to vector<16xf32>
        %max3A_218 = arith.maximumf %sub3A_215, %max3A_217 : vector<16xf32>
        %min3A_219 = arith.minimumf %gather3A_41, %gather3A_212 : vector<16xf32>
        %max3A_220 = arith.maximumf %gather3A_39, %gather3A_208 : vector<16xf32>
        %sub3A_221 = arith.subf %min3A_219, %max3A_220 : vector<16xf32>
        %max3A_222 = arith.constant 0.000000e+00 : f32
        %max3A_223 = vector.broadcast %max3A_222 : f32 to vector<16xf32>
        %max3A_224 = arith.maximumf %sub3A_221, %max3A_223 : vector<16xf32>
        %mul3A_225 = arith.mulf %max3A_218, %max3A_224 : vector<16xf32>
        %add3A_226 = arith.addf %mul3A_48, %gather3A_214 : vector<16xf32>
        %sub3A_227 = arith.subf %add3A_226, %mul3A_225 : vector<16xf32>
        %mul3A_228 = arith.constant 5.000000e-01 : f32
        %mul3A_229 = vector.broadcast %mul3A_228 : f32 to vector<16xf32>
        %mul3A_230 = arith.mulf %mul3A_229, %sub3A_227 : vector<16xf32>
        %gt3A = arith.cmpf ogt, %mul3A_225, %mul3A_230 : vector<16xf32>
        %or3A = arith.ori %while3A_201, %gt3A : vector<16xi1>
        %min3A_231 = arith.minimumf %gather3A_44, %gather3A_210 : vector<16xf32>
        %max3A_232 = arith.maximumf %gather3A_42, %gather3A_206 : vector<16xf32>
        %sub3A_233 = arith.subf %min3A_231, %max3A_232 : vector<16xf32>
        %max3A_234 = arith.constant 0.000000e+00 : f32
        %max3A_235 = vector.broadcast %max3A_234 : f32 to vector<16xf32>
        %max3A_236 = arith.maximumf %sub3A_233, %max3A_235 : vector<16xf32>
        %min3A_237 = arith.minimumf %gather3A_45, %gather3A_212 : vector<16xf32>
        %max3A_238 = arith.maximumf %gather3A_43, %gather3A_208 : vector<16xf32>
        %sub3A_239 = arith.subf %min3A_237, %max3A_238 : vector<16xf32>
        %max3A_240 = arith.constant 0.000000e+00 : f32
        %max3A_241 = vector.broadcast %max3A_240 : f32 to vector<16xf32>
        %max3A_242 = arith.maximumf %sub3A_239, %max3A_241 : vector<16xf32>
        %mul3A_243 = arith.mulf %max3A_236, %max3A_242 : vector<16xf32>
        %add3A_244 = arith.addf %mul3A_51, %gather3A_214 : vector<16xf32>
        %sub3A_245 = arith.subf %add3A_244, %mul3A_243 : vector<16xf32>
        %mul3A_246 = arith.constant 5.000000e-01 : f32
        %mul3A_247 = vector.broadcast %mul3A_246 : f32 to vector<16xf32>
        %mul3A_248 = arith.mulf %mul3A_247, %sub3A_245 : vector<16xf32>
        %gt3A_249 = arith.cmpf ogt, %mul3A_243, %mul3A_248 : vector<16xf32>
        %or3A_250 = arith.ori %while3A_202, %gt3A_249 : vector<16xi1>
        %mul3A_251 = arith.constant 2 : i32
        %mul3A_252 = arith.muli %mul3A_251, %while3A_200 : i32
        %add3A_253 = arith.constant 1 : i32
        %add3A_254 = arith.addi %mul3A_252, %add3A_253 : i32
        %broadcast_in_dim3A_255 = vector.broadcast %add3A_254 : i32 to vector<16xi32>
        %gather3A_256 = tpu.vector_load_idx %arg16[%broadcast_in_dim3A_255] : memref<5120xf32, #tpu.memory_space<vmem>>[vector<16xi32>], vector<16xf32>,
        %broadcast_in_dim3A_257 = vector.broadcast %add3A_254 : i32 to vector<16xi32>
        %gather3A_258 = tpu.vector_load_idx %arg17[%broadcast_in_dim3A_257] : memref<5120xf32, #tpu.memory_space<vmem>>[vector<16xi32>], vector<16xf32>,
        %broadcast_in_dim3A_259 = vector.broadcast %add3A_254 : i32 to vector<16xi32>
        %gather3A_260 = tpu.vector_load_idx %arg18[%broadcast_in_dim3A_259] : memref<5120xf32, #tpu.memory_space<vmem>>[vector<16xi32>], vector<16xf32>,
        %broadcast_in_dim3A_261 = vector.broadcast %add3A_254 : i32 to vector<16xi32>
        %gather3A_262 = tpu.vector_load_idx %arg19[%broadcast_in_dim3A_261] : memref<5120xf32, #tpu.memory_space<vmem>>[vector<16xi32>], vector<16xf32>,
        %broadcast_in_dim3A_263 = vector.broadcast %add3A_254 : i32 to vector<16xi32>
        %gather3A_264 = tpu.vector_load_idx %arg20[%broadcast_in_dim3A_263] : memref<5120xf32, #tpu.memory_space<vmem>>[vector<16xi32>], vector<16xf32>,
        %min3A_265 = arith.minimumf %gather3A_40, %gather3A_260 : vector<16xf32>
        %max3A_266 = arith.maximumf %gather3A, %gather3A_256 : vector<16xf32>
        %sub3A_267 = arith.subf %min3A_265, %max3A_266 : vector<16xf32>
        %max3A_268 = arith.constant 0.000000e+00 : f32
        %max3A_269 = vector.broadcast %max3A_268 : f32 to vector<16xf32>
        %max3A_270 = arith.maximumf %sub3A_267, %max3A_269 : vector<16xf32>
        %min3A_271 = arith.minimumf %gather3A_41, %gather3A_262 : vector<16xf32>
        %max3A_272 = arith.maximumf %gather3A_39, %gather3A_258 : vector<16xf32>
        %sub3A_273 = arith.subf %min3A_271, %max3A_272 : vector<16xf32>
        %max3A_274 = arith.constant 0.000000e+00 : f32
        %max3A_275 = vector.broadcast %max3A_274 : f32 to vector<16xf32>
        %max3A_276 = arith.maximumf %sub3A_273, %max3A_275 : vector<16xf32>
        %mul3A_277 = arith.mulf %max3A_270, %max3A_276 : vector<16xf32>
        %add3A_278 = arith.addf %mul3A_48, %gather3A_264 : vector<16xf32>
        %sub3A_279 = arith.subf %add3A_278, %mul3A_277 : vector<16xf32>
        %mul3A_280 = arith.constant 5.000000e-01 : f32
        %mul3A_281 = vector.broadcast %mul3A_280 : f32 to vector<16xf32>
        %mul3A_282 = arith.mulf %mul3A_281, %sub3A_279 : vector<16xf32>
        %gt3A_283 = arith.cmpf ogt, %mul3A_277, %mul3A_282 : vector<16xf32>
        %or3A_284 = arith.ori %or3A, %gt3A_283 : vector<16xi1>
        %min3A_285 = arith.minimumf %gather3A_44, %gather3A_260 : vector<16xf32>
        %max3A_286 = arith.maximumf %gather3A_42, %gather3A_256 : vector<16xf32>
        %sub3A_287 = arith.subf %min3A_285, %max3A_286 : vector<16xf32>
        %max3A_288 = arith.constant 0.000000e+00 : f32
        %max3A_289 = vector.broadcast %max3A_288 : f32 to vector<16xf32>
        %max3A_290 = arith.maximumf %sub3A_287, %max3A_289 : vector<16xf32>
        %min3A_291 = arith.minimumf %gather3A_45, %gather3A_262 : vector<16xf32>
        %max3A_292 = arith.maximumf %gather3A_43, %gather3A_258 : vector<16xf32>
        %sub3A_293 = arith.subf %min3A_291, %max3A_292 : vector<16xf32>
        %max3A_294 = arith.constant 0.000000e+00 : f32
        %max3A_295 = vector.broadcast %max3A_294 : f32 to vector<16xf32>
        %max3A_296 = arith.maximumf %sub3A_293, %max3A_295 : vector<16xf32>
        %mul3A_297 = arith.mulf %max3A_290, %max3A_296 : vector<16xf32>
        %add3A_298 = arith.addf %mul3A_51, %gather3A_264 : vector<16xf32>
        %sub3A_299 = arith.subf %add3A_298, %mul3A_297 : vector<16xf32>
        %mul3A_300 = arith.constant 5.000000e-01 : f32
        %mul3A_301 = vector.broadcast %mul3A_300 : f32 to vector<16xf32>
        %mul3A_302 = arith.mulf %mul3A_301, %sub3A_299 : vector<16xf32>
        %gt3A_303 = arith.cmpf ogt, %mul3A_297, %mul3A_302 : vector<16xf32>
        %or3A_304 = arith.ori %or3A_250, %gt3A_303 : vector<16xi1>
        scf.yield %or3A_284, %or3A_304 : vector<16xi1>, vector<16xi1>
      }
      %jit3A_81 = arith.constant 0 : i32
      %jit3A_82 = arith.constant 1 : i32
      %broadcast_in_dim3A_83 = vector.broadcast %jit3A_81 : i32 to vector<16xi32>
      %broadcast_in_dim3A_84 = vector.broadcast %jit3A_82 : i32 to vector<16xi32>
      %select_n3A_85 = arith.select %while3A_80#0, %broadcast_in_dim3A_83, %broadcast_in_dim3A_84 : vector<16xi1>, vector<16xi32>
      %swap3A = arith.constant 0 : index
      %swap3A_86 = tpu.vector_load %arg26[%swap3A] {strides = array<i32>} : memref<32xi32, #tpu.memory_space<vmem>>, vector<16xi32>,
      tpu.vector_store %arg26[%swap3A], %select_n3A_85 {strides = array<i32>} : memref<32xi32, #tpu.memory_space<vmem>>, vector<16xi32>,
      %jit3A_87 = arith.constant 0 : i32
      %jit3A_88 = arith.constant 1 : i32
      %broadcast_in_dim3A_89 = vector.broadcast %jit3A_87 : i32 to vector<16xi32>
      %broadcast_in_dim3A_90 = vector.broadcast %jit3A_88 : i32 to vector<16xi32>
      %select_n3A_91 = arith.select %while3A_80#1, %broadcast_in_dim3A_89, %broadcast_in_dim3A_90 : vector<16xi1>, vector<16xi32>
      %swap3A_92 = arith.constant 16 : index
      %swap3A_93 = tpu.vector_load %arg26[%swap3A_92] {strides = array<i32>} : memref<32xi32, #tpu.memory_space<vmem>>, vector<16xi32>,
      tpu.vector_store %arg26[%swap3A_92], %select_n3A_91 {strides = array<i32>} : memref<32xi32, #tpu.memory_space<vmem>>, vector<16xi32>,
      "tpu.region"() ({
        %run_scoped3A = tpu.sem_alloc : memref<!tpu.dma_semaphore, #tpu.memory_space<semaphore_mem>>
        %dma_start3A = arith.constant 0 : i32
        %dma_start3A_200 = tpu.memref_slice %arg26[%dma_start3A] : memref<32xi32, #tpu.memory_space<vmem>> -> memref<16xi32, #tpu.memory_space<vmem>>
        %dma_start3A_201 = tpu.memref_slice %arg28[%mul3A_15] : memref<512xi32, #tpu.memory_space<vmem_shared>> -> memref<16xi32, #tpu.memory_space<vmem_shared>>
        %dma_start3A_202 = tpu.memref_slice %arg28[%mul3A_15] : memref<512xi32, #tpu.memory_space<vmem_shared>> -> memref<16xi32, #tpu.memory_space<vmem_shared>>
        %dma_start3A_203 = arith.constant 0 : i32
        %dma_start3A_204 = tpu.memref_slice %arg26[%dma_start3A_203] : memref<32xi32, #tpu.memory_space<vmem>> -> memref<16xi32, #tpu.memory_space<vmem>>
        tpu.enqueue_dma source(%dma_start3A_204 : memref<16xi32, #tpu.memory_space<vmem>>) target(%dma_start3A_202 : memref<16xi32, #tpu.memory_space<vmem_shared>>) target_semaphore(%run_scoped3A : memref<!tpu.dma_semaphore, #tpu.memory_space<semaphore_mem>>)
        %dma_wait3A = arith.constant 0 : i32
        %dma_wait3A_205 = tpu.memref_slice %arg26[%dma_wait3A] : memref<32xi32, #tpu.memory_space<vmem>> -> memref<16xi32, #tpu.memory_space<vmem>>
        %dma_wait3A_206 = tpu.memref_slice %arg28[%mul3A_15] : memref<512xi32, #tpu.memory_space<vmem_shared>> -> memref<16xi32, #tpu.memory_space<vmem_shared>>
        %dma_wait3A_207 = tpu.memref_slice %arg28[%mul3A_15] : memref<512xi32, #tpu.memory_space<vmem_shared>> -> memref<16xi32, #tpu.memory_space<vmem_shared>>
        %dma_wait3A_208 = arith.constant 0 : i32
        %dma_wait3A_209 = tpu.memref_slice %arg26[%dma_wait3A_208] : memref<32xi32, #tpu.memory_space<vmem>> -> memref<16xi32, #tpu.memory_space<vmem>>
        tpu.wait_dma2 semaphore(%run_scoped3A : memref<!tpu.dma_semaphore, #tpu.memory_space<semaphore_mem>>) src(%dma_wait3A_209 : memref<16xi32, #tpu.memory_space<vmem>>) dst(%dma_wait3A_207 : memref<16xi32, #tpu.memory_space<vmem_shared>>)
        tpu.yield
      }) : () -> ()
      "tpu.region"() ({
        %run_scoped3A = tpu.sem_alloc : memref<!tpu.dma_semaphore, #tpu.memory_space<semaphore_mem>>
        %dma_start3A = arith.constant 16 : i32
        %dma_start3A_200 = tpu.memref_slice %arg26[%dma_start3A] : memref<32xi32, #tpu.memory_space<vmem>> -> memref<16xi32, #tpu.memory_space<vmem>>
        %dma_start3A_201 = tpu.memref_slice %arg28[%mul3A_18] : memref<512xi32, #tpu.memory_space<vmem_shared>> -> memref<16xi32, #tpu.memory_space<vmem_shared>>
        %dma_start3A_202 = tpu.memref_slice %arg28[%mul3A_18] : memref<512xi32, #tpu.memory_space<vmem_shared>> -> memref<16xi32, #tpu.memory_space<vmem_shared>>
        %dma_start3A_203 = arith.constant 16 : i32
        %dma_start3A_204 = tpu.memref_slice %arg26[%dma_start3A_203] : memref<32xi32, #tpu.memory_space<vmem>> -> memref<16xi32, #tpu.memory_space<vmem>>
        tpu.enqueue_dma source(%dma_start3A_204 : memref<16xi32, #tpu.memory_space<vmem>>) target(%dma_start3A_202 : memref<16xi32, #tpu.memory_space<vmem_shared>>) target_semaphore(%run_scoped3A : memref<!tpu.dma_semaphore, #tpu.memory_space<semaphore_mem>>)
        %dma_wait3A = arith.constant 16 : i32
        %dma_wait3A_205 = tpu.memref_slice %arg26[%dma_wait3A] : memref<32xi32, #tpu.memory_space<vmem>> -> memref<16xi32, #tpu.memory_space<vmem>>
        %dma_wait3A_206 = tpu.memref_slice %arg28[%mul3A_18] : memref<512xi32, #tpu.memory_space<vmem_shared>> -> memref<16xi32, #tpu.memory_space<vmem_shared>>
        %dma_wait3A_207 = tpu.memref_slice %arg28[%mul3A_18] : memref<512xi32, #tpu.memory_space<vmem_shared>> -> memref<16xi32, #tpu.memory_space<vmem_shared>>
        %dma_wait3A_208 = arith.constant 16 : i32
        %dma_wait3A_209 = tpu.memref_slice %arg26[%dma_wait3A_208] : memref<32xi32, #tpu.memory_space<vmem>> -> memref<16xi32, #tpu.memory_space<vmem>>
        tpu.wait_dma2 semaphore(%run_scoped3A : memref<!tpu.dma_semaphore, #tpu.memory_space<semaphore_mem>>) src(%dma_wait3A_209 : memref<16xi32, #tpu.memory_space<vmem>>) dst(%dma_wait3A_207 : memref<16xi32, #tpu.memory_space<vmem_shared>>)
        tpu.yield
      }) : () -> ()
      %barrier3A = arith.constant 0 : index
      tpu.barrier barrier_id(%barrier3A)
      "tpu.region"() ({
        %run_scoped3A = tpu.sem_alloc : memref<!tpu.dma_semaphore, #tpu.memory_space<semaphore_mem>>
        tpu.enqueue_dma source(%arg28 : memref<512xi32, #tpu.memory_space<vmem_shared>>) target(%arg23 : memref<512xi32, #tpu.memory_space<vmem>>) target_semaphore(%run_scoped3A : memref<!tpu.dma_semaphore, #tpu.memory_space<semaphore_mem>>)
        tpu.wait_dma2 semaphore(%run_scoped3A : memref<!tpu.dma_semaphore, #tpu.memory_space<semaphore_mem>>) src(%arg28 : memref<512xi32, #tpu.memory_space<vmem_shared>>) dst(%arg23 : memref<512xi32, #tpu.memory_space<vmem>>)
        tpu.yield
      }) : () -> ()
      %add3A_94 = vector.broadcast %mul3A_15 : i32 to vector<16xi32>
      %add3A_95 = arith.addi %iota3A, %add3A_94 : vector<16xi32>
      %add3A_96 = vector.broadcast %mul3A_18 : i32 to vector<16xi32>
      %add3A_97 = arith.addi %iota3A, %add3A_96 : vector<16xi32>
      %broadcast_in_dim3A_98 = vector.broadcast %mul3A_34 : i32 to vector<16xi32>
      %add3A_99 = arith.constant 16 : i32
      %add3A_100 = arith.addi %mul3A_15, %add3A_99 : i32
      %while3A_101 = arith.constant 0 : i32
      %while3A_102 = arith.subi %add3A_100, %while3A_101 : i32
      %while3A_103 = arith.addi %while3A_101, %while3A_102 : i32
      %while3A_104 = arith.constant 1 : i32
      %while3A_105 = arith.divsi %while3A_102, %while3A_104 : i32
      %while3A_106 = arith.muli %while3A_105, %while3A_104 : i32
      %while3A_107 = arith.addi %while3A_101, %while3A_106 : i32
      %while3A_108 = arith.constant 1 : i32
      %while3A_109 = scf.for %while3A_200 = %while3A_101 to %while3A_107 step %while3A_108 iter_args(%while3A_201 = %lt3A_3) -> (vector<16xi1>)  : i32 {
        %broadcast_in_dim3A_202 = vector.broadcast %while3A_200 : i32 to vector<16xi32>
        %gather3A_203 = tpu.vector_load_idx %arg23[%broadcast_in_dim3A_202] : memref<512xi32, #tpu.memory_space<vmem>>[vector<16xi32>], vector<16xi32>,
        %ne3A_204 = arith.constant 0 : i32
        %ne3A_205 = vector.broadcast %ne3A_204 : i32 to vector<16xi32>
        %ne3A_206 = arith.cmpi ne, %gather3A_203, %ne3A_205 : vector<16xi32>
        %broadcast_in_dim3A_207 = vector.broadcast %while3A_200 : i32 to vector<16xi32>
        %add3A_208 = arith.addi %broadcast_in_dim3A_98, %broadcast_in_dim3A_207 : vector<16xi32>
        %gather3A_209 = tpu.vector_load_idx %arg15[%add3A_208] : memref<5120xi32, #tpu.memory_space<vmem>>[vector<16xi32>], vector<16xi32>,
        %gather3A_210 = tpu.vector_load_idx %arg10[%gather3A_209] : memref<5120xf32, #tpu.memory_space<vmem>>[vector<16xi32>], vector<16xf32>,
        %gather3A_211 = tpu.vector_load_idx %arg11[%gather3A_209] : memref<5120xf32, #tpu.memory_space<vmem>>[vector<16xi32>], vector<16xf32>,
        %gather3A_212 = tpu.vector_load_idx %arg12[%gather3A_209] : memref<5120xf32, #tpu.memory_space<vmem>>[vector<16xi32>], vector<16xf32>,
        %gather3A_213 = tpu.vector_load_idx %arg13[%gather3A_209] : memref<5120xf32, #tpu.memory_space<vmem>>[vector<16xi32>], vector<16xf32>,
        %sub3A_214 = arith.subf %gather3A_212, %gather3A_210 : vector<16xf32>
        %sub3A_215 = arith.subf %gather3A_213, %gather3A_211 : vector<16xf32>
        %mul3A_216 = arith.mulf %sub3A_214, %sub3A_215 : vector<16xf32>
        %min3A = arith.minimumf %gather3A_40, %gather3A_212 : vector<16xf32>
        %max3A = arith.maximumf %gather3A, %gather3A_210 : vector<16xf32>
        %sub3A_217 = arith.subf %min3A, %max3A : vector<16xf32>
        %max3A_218 = arith.constant 0.000000e+00 : f32
        %max3A_219 = vector.broadcast %max3A_218 : f32 to vector<16xf32>
        %max3A_220 = arith.maximumf %sub3A_217, %max3A_219 : vector<16xf32>
        %min3A_221 = arith.minimumf %gather3A_41, %gather3A_213 : vector<16xf32>
        %max3A_222 = arith.maximumf %gather3A_39, %gather3A_211 : vector<16xf32>
        %sub3A_223 = arith.subf %min3A_221, %max3A_222 : vector<16xf32>
        %max3A_224 = arith.constant 0.000000e+00 : f32
        %max3A_225 = vector.broadcast %max3A_224 : f32 to vector<16xf32>
        %max3A_226 = arith.maximumf %sub3A_223, %max3A_225 : vector<16xf32>
        %mul3A_227 = arith.mulf %max3A_220, %max3A_226 : vector<16xf32>
        %add3A_228 = arith.addf %mul3A_48, %mul3A_216 : vector<16xf32>
        %sub3A_229 = arith.subf %add3A_228, %mul3A_227 : vector<16xf32>
        %mul3A_230 = arith.constant 5.000000e-01 : f32
        %mul3A_231 = vector.broadcast %mul3A_230 : f32 to vector<16xf32>
        %mul3A_232 = arith.mulf %mul3A_231, %sub3A_229 : vector<16xf32>
        %gt3A = arith.cmpf ogt, %mul3A_227, %mul3A_232 : vector<16xf32>
        %and3A_233 = arith.andi %gt3A, %ne3A_206 : vector<16xi1>
        %lt3A_234 = arith.cmpi slt, %broadcast_in_dim3A_207, %add3A_95 : vector<16xi32>
        %and3A_235 = arith.andi %and3A_233, %lt3A_234 : vector<16xi1>
        %or3A = arith.ori %while3A_201, %and3A_235 : vector<16xi1>
        scf.yield %or3A : vector<16xi1>
      }
      %while3A_110 = arith.constant 1 : i32
      %while3A_111 = scf.for %while3A_200 = %while3A_107 to %while3A_103 step %while3A_110 iter_args(%while3A_201 = %while3A_109) -> (vector<16xi1>)  : i32 {
        %broadcast_in_dim3A_202 = vector.broadcast %while3A_200 : i32 to vector<16xi32>
        %gather3A_203 = tpu.vector_load_idx %arg23[%broadcast_in_dim3A_202] : memref<512xi32, #tpu.memory_space<vmem>>[vector<16xi32>], vector<16xi32>,
        %ne3A_204 = arith.constant 0 : i32
        %ne3A_205 = vector.broadcast %ne3A_204 : i32 to vector<16xi32>
        %ne3A_206 = arith.cmpi ne, %gather3A_203, %ne3A_205 : vector<16xi32>
        %broadcast_in_dim3A_207 = vector.broadcast %while3A_200 : i32 to vector<16xi32>
        %add3A_208 = arith.addi %broadcast_in_dim3A_98, %broadcast_in_dim3A_207 : vector<16xi32>
        %gather3A_209 = tpu.vector_load_idx %arg15[%add3A_208] : memref<5120xi32, #tpu.memory_space<vmem>>[vector<16xi32>], vector<16xi32>,
        %gather3A_210 = tpu.vector_load_idx %arg10[%gather3A_209] : memref<5120xf32, #tpu.memory_space<vmem>>[vector<16xi32>], vector<16xf32>,
        %gather3A_211 = tpu.vector_load_idx %arg11[%gather3A_209] : memref<5120xf32, #tpu.memory_space<vmem>>[vector<16xi32>], vector<16xf32>,
        %gather3A_212 = tpu.vector_load_idx %arg12[%gather3A_209] : memref<5120xf32, #tpu.memory_space<vmem>>[vector<16xi32>], vector<16xf32>,
        %gather3A_213 = tpu.vector_load_idx %arg13[%gather3A_209] : memref<5120xf32, #tpu.memory_space<vmem>>[vector<16xi32>], vector<16xf32>,
        %sub3A_214 = arith.subf %gather3A_212, %gather3A_210 : vector<16xf32>
        %sub3A_215 = arith.subf %gather3A_213, %gather3A_211 : vector<16xf32>
        %mul3A_216 = arith.mulf %sub3A_214, %sub3A_215 : vector<16xf32>
        %min3A = arith.minimumf %gather3A_40, %gather3A_212 : vector<16xf32>
        %max3A = arith.maximumf %gather3A, %gather3A_210 : vector<16xf32>
        %sub3A_217 = arith.subf %min3A, %max3A : vector<16xf32>
        %max3A_218 = arith.constant 0.000000e+00 : f32
        %max3A_219 = vector.broadcast %max3A_218 : f32 to vector<16xf32>
        %max3A_220 = arith.maximumf %sub3A_217, %max3A_219 : vector<16xf32>
        %min3A_221 = arith.minimumf %gather3A_41, %gather3A_213 : vector<16xf32>
        %max3A_222 = arith.maximumf %gather3A_39, %gather3A_211 : vector<16xf32>
        %sub3A_223 = arith.subf %min3A_221, %max3A_222 : vector<16xf32>
        %max3A_224 = arith.constant 0.000000e+00 : f32
        %max3A_225 = vector.broadcast %max3A_224 : f32 to vector<16xf32>
        %max3A_226 = arith.maximumf %sub3A_223, %max3A_225 : vector<16xf32>
        %mul3A_227 = arith.mulf %max3A_220, %max3A_226 : vector<16xf32>
        %add3A_228 = arith.addf %mul3A_48, %mul3A_216 : vector<16xf32>
        %sub3A_229 = arith.subf %add3A_228, %mul3A_227 : vector<16xf32>
        %mul3A_230 = arith.constant 5.000000e-01 : f32
        %mul3A_231 = vector.broadcast %mul3A_230 : f32 to vector<16xf32>
        %mul3A_232 = arith.mulf %mul3A_231, %sub3A_229 : vector<16xf32>
        %gt3A = arith.cmpf ogt, %mul3A_227, %mul3A_232 : vector<16xf32>
        %and3A_233 = arith.andi %gt3A, %ne3A_206 : vector<16xi1>
        %lt3A_234 = arith.cmpi slt, %broadcast_in_dim3A_207, %add3A_95 : vector<16xi32>
        %and3A_235 = arith.andi %and3A_233, %lt3A_234 : vector<16xi1>
        %or3A = arith.ori %while3A_201, %and3A_235 : vector<16xi1>
        scf.yield %or3A : vector<16xi1>
      }
      %add3A_112 = arith.constant 16 : i32
      %add3A_113 = arith.addi %mul3A_18, %add3A_112 : i32
      %while3A_114 = arith.constant 0 : i32
      %while3A_115 = arith.subi %add3A_113, %while3A_114 : i32
      %while3A_116 = arith.addi %while3A_114, %while3A_115 : i32
      %while3A_117 = arith.constant 1 : i32
      %while3A_118 = arith.divsi %while3A_115, %while3A_117 : i32
      %while3A_119 = arith.muli %while3A_118, %while3A_117 : i32
      %while3A_120 = arith.addi %while3A_114, %while3A_119 : i32
      %while3A_121 = arith.constant 1 : i32
      %while3A_122 = scf.for %while3A_200 = %while3A_114 to %while3A_120 step %while3A_121 iter_args(%while3A_201 = %lt3A_3) -> (vector<16xi1>)  : i32 {
        %broadcast_in_dim3A_202 = vector.broadcast %while3A_200 : i32 to vector<16xi32>
        %gather3A_203 = tpu.vector_load_idx %arg23[%broadcast_in_dim3A_202] : memref<512xi32, #tpu.memory_space<vmem>>[vector<16xi32>], vector<16xi32>,
        %ne3A_204 = arith.constant 0 : i32
        %ne3A_205 = vector.broadcast %ne3A_204 : i32 to vector<16xi32>
        %ne3A_206 = arith.cmpi ne, %gather3A_203, %ne3A_205 : vector<16xi32>
        %broadcast_in_dim3A_207 = vector.broadcast %while3A_200 : i32 to vector<16xi32>
        %add3A_208 = arith.addi %broadcast_in_dim3A_98, %broadcast_in_dim3A_207 : vector<16xi32>
        %gather3A_209 = tpu.vector_load_idx %arg15[%add3A_208] : memref<5120xi32, #tpu.memory_space<vmem>>[vector<16xi32>], vector<16xi32>,
        %gather3A_210 = tpu.vector_load_idx %arg10[%gather3A_209] : memref<5120xf32, #tpu.memory_space<vmem>>[vector<16xi32>], vector<16xf32>,
        %gather3A_211 = tpu.vector_load_idx %arg11[%gather3A_209] : memref<5120xf32, #tpu.memory_space<vmem>>[vector<16xi32>], vector<16xf32>,
        %gather3A_212 = tpu.vector_load_idx %arg12[%gather3A_209] : memref<5120xf32, #tpu.memory_space<vmem>>[vector<16xi32>], vector<16xf32>,
        %gather3A_213 = tpu.vector_load_idx %arg13[%gather3A_209] : memref<5120xf32, #tpu.memory_space<vmem>>[vector<16xi32>], vector<16xf32>,
        %sub3A_214 = arith.subf %gather3A_212, %gather3A_210 : vector<16xf32>
        %sub3A_215 = arith.subf %gather3A_213, %gather3A_211 : vector<16xf32>
        %mul3A_216 = arith.mulf %sub3A_214, %sub3A_215 : vector<16xf32>
        %min3A = arith.minimumf %gather3A_44, %gather3A_212 : vector<16xf32>
        %max3A = arith.maximumf %gather3A_42, %gather3A_210 : vector<16xf32>
        %sub3A_217 = arith.subf %min3A, %max3A : vector<16xf32>
        %max3A_218 = arith.constant 0.000000e+00 : f32
        %max3A_219 = vector.broadcast %max3A_218 : f32 to vector<16xf32>
        %max3A_220 = arith.maximumf %sub3A_217, %max3A_219 : vector<16xf32>
        %min3A_221 = arith.minimumf %gather3A_45, %gather3A_213 : vector<16xf32>
        %max3A_222 = arith.maximumf %gather3A_43, %gather3A_211 : vector<16xf32>
        %sub3A_223 = arith.subf %min3A_221, %max3A_222 : vector<16xf32>
        %max3A_224 = arith.constant 0.000000e+00 : f32
        %max3A_225 = vector.broadcast %max3A_224 : f32 to vector<16xf32>
        %max3A_226 = arith.maximumf %sub3A_223, %max3A_225 : vector<16xf32>
        %mul3A_227 = arith.mulf %max3A_220, %max3A_226 : vector<16xf32>
        %add3A_228 = arith.addf %mul3A_51, %mul3A_216 : vector<16xf32>
        %sub3A_229 = arith.subf %add3A_228, %mul3A_227 : vector<16xf32>
        %mul3A_230 = arith.constant 5.000000e-01 : f32
        %mul3A_231 = vector.broadcast %mul3A_230 : f32 to vector<16xf32>
        %mul3A_232 = arith.mulf %mul3A_231, %sub3A_229 : vector<16xf32>
        %gt3A = arith.cmpf ogt, %mul3A_227, %mul3A_232 : vector<16xf32>
        %and3A_233 = arith.andi %gt3A, %ne3A_206 : vector<16xi1>
        %lt3A_234 = arith.cmpi slt, %broadcast_in_dim3A_207, %add3A_97 : vector<16xi32>
        %and3A_235 = arith.andi %and3A_233, %lt3A_234 : vector<16xi1>
        %or3A = arith.ori %while3A_201, %and3A_235 : vector<16xi1>
        scf.yield %or3A : vector<16xi1>
      }
      %while3A_123 = arith.constant 1 : i32
      %while3A_124 = scf.for %while3A_200 = %while3A_120 to %while3A_116 step %while3A_123 iter_args(%while3A_201 = %while3A_122) -> (vector<16xi1>)  : i32 {
        %broadcast_in_dim3A_202 = vector.broadcast %while3A_200 : i32 to vector<16xi32>
        %gather3A_203 = tpu.vector_load_idx %arg23[%broadcast_in_dim3A_202] : memref<512xi32, #tpu.memory_space<vmem>>[vector<16xi32>], vector<16xi32>,
        %ne3A_204 = arith.constant 0 : i32
        %ne3A_205 = vector.broadcast %ne3A_204 : i32 to vector<16xi32>
        %ne3A_206 = arith.cmpi ne, %gather3A_203, %ne3A_205 : vector<16xi32>
        %broadcast_in_dim3A_207 = vector.broadcast %while3A_200 : i32 to vector<16xi32>
        %add3A_208 = arith.addi %broadcast_in_dim3A_98, %broadcast_in_dim3A_207 : vector<16xi32>
        %gather3A_209 = tpu.vector_load_idx %arg15[%add3A_208] : memref<5120xi32, #tpu.memory_space<vmem>>[vector<16xi32>], vector<16xi32>,
        %gather3A_210 = tpu.vector_load_idx %arg10[%gather3A_209] : memref<5120xf32, #tpu.memory_space<vmem>>[vector<16xi32>], vector<16xf32>,
        %gather3A_211 = tpu.vector_load_idx %arg11[%gather3A_209] : memref<5120xf32, #tpu.memory_space<vmem>>[vector<16xi32>], vector<16xf32>,
        %gather3A_212 = tpu.vector_load_idx %arg12[%gather3A_209] : memref<5120xf32, #tpu.memory_space<vmem>>[vector<16xi32>], vector<16xf32>,
        %gather3A_213 = tpu.vector_load_idx %arg13[%gather3A_209] : memref<5120xf32, #tpu.memory_space<vmem>>[vector<16xi32>], vector<16xf32>,
        %sub3A_214 = arith.subf %gather3A_212, %gather3A_210 : vector<16xf32>
        %sub3A_215 = arith.subf %gather3A_213, %gather3A_211 : vector<16xf32>
        %mul3A_216 = arith.mulf %sub3A_214, %sub3A_215 : vector<16xf32>
        %min3A = arith.minimumf %gather3A_44, %gather3A_212 : vector<16xf32>
        %max3A = arith.maximumf %gather3A_42, %gather3A_210 : vector<16xf32>
        %sub3A_217 = arith.subf %min3A, %max3A : vector<16xf32>
        %max3A_218 = arith.constant 0.000000e+00 : f32
        %max3A_219 = vector.broadcast %max3A_218 : f32 to vector<16xf32>
        %max3A_220 = arith.maximumf %sub3A_217, %max3A_219 : vector<16xf32>
        %min3A_221 = arith.minimumf %gather3A_45, %gather3A_213 : vector<16xf32>
        %max3A_222 = arith.maximumf %gather3A_43, %gather3A_211 : vector<16xf32>
        %sub3A_223 = arith.subf %min3A_221, %max3A_222 : vector<16xf32>
        %max3A_224 = arith.constant 0.000000e+00 : f32
        %max3A_225 = vector.broadcast %max3A_224 : f32 to vector<16xf32>
        %max3A_226 = arith.maximumf %sub3A_223, %max3A_225 : vector<16xf32>
        %mul3A_227 = arith.mulf %max3A_220, %max3A_226 : vector<16xf32>
        %add3A_228 = arith.addf %mul3A_51, %mul3A_216 : vector<16xf32>
        %sub3A_229 = arith.subf %add3A_228, %mul3A_227 : vector<16xf32>
        %mul3A_230 = arith.constant 5.000000e-01 : f32
        %mul3A_231 = vector.broadcast %mul3A_230 : f32 to vector<16xf32>
        %mul3A_232 = arith.mulf %mul3A_231, %sub3A_229 : vector<16xf32>
        %gt3A = arith.cmpf ogt, %mul3A_227, %mul3A_232 : vector<16xf32>
        %and3A_233 = arith.andi %gt3A, %ne3A_206 : vector<16xi1>
        %lt3A_234 = arith.cmpi slt, %broadcast_in_dim3A_207, %add3A_97 : vector<16xi32>
        %and3A_235 = arith.andi %and3A_233, %lt3A_234 : vector<16xi1>
        %or3A = arith.ori %while3A_201, %and3A_235 : vector<16xi1>
        scf.yield %or3A : vector<16xi1>
      }
      %jit3A_125 = arith.constant 2 : i32
      %jit3A_126 = arith.constant 1 : i32
      %broadcast_in_dim3A_127 = vector.broadcast %jit3A_125 : i32 to vector<16xi32>
      %broadcast_in_dim3A_128 = vector.broadcast %jit3A_126 : i32 to vector<16xi32>
      %select_n3A_129 = arith.select %while3A_111, %broadcast_in_dim3A_127, %broadcast_in_dim3A_128 : vector<16xi1>, vector<16xi32>
      %jit3A_130 = arith.constant 0 : i32
      %broadcast_in_dim3A_131 = vector.broadcast %jit3A_130 : i32 to vector<16xi32>
      %select_n3A_132 = arith.select %while3A_80#0, %broadcast_in_dim3A_131, %select_n3A_129 : vector<16xi1>, vector<16xi32>
      %jit3A_133 = arith.constant 2 : i32
      %jit3A_134 = arith.constant 1 : i32
      %broadcast_in_dim3A_135 = vector.broadcast %jit3A_133 : i32 to vector<16xi32>
      %broadcast_in_dim3A_136 = vector.broadcast %jit3A_134 : i32 to vector<16xi32>
      %select_n3A_137 = arith.select %while3A_124, %broadcast_in_dim3A_135, %broadcast_in_dim3A_136 : vector<16xi1>, vector<16xi32>
      %jit3A_138 = arith.constant 0 : i32
      %broadcast_in_dim3A_139 = vector.broadcast %jit3A_138 : i32 to vector<16xi32>
      %select_n3A_140 = arith.select %while3A_80#1, %broadcast_in_dim3A_139, %select_n3A_137 : vector<16xi1>, vector<16xi32>
      %swap3A_141 = arith.constant 0 : index
      %swap3A_142 = tpu.vector_load %arg26[%swap3A_141] {strides = array<i32>} : memref<32xi32, #tpu.memory_space<vmem>>, vector<16xi32>,
      tpu.vector_store %arg26[%swap3A_141], %select_n3A_132 {strides = array<i32>} : memref<32xi32, #tpu.memory_space<vmem>>, vector<16xi32>,
      %swap3A_143 = arith.constant 16 : index
      %swap3A_144 = tpu.vector_load %arg26[%swap3A_143] {strides = array<i32>} : memref<32xi32, #tpu.memory_space<vmem>>, vector<16xi32>,
      tpu.vector_store %arg26[%swap3A_143], %select_n3A_140 {strides = array<i32>} : memref<32xi32, #tpu.memory_space<vmem>>, vector<16xi32>,
      "tpu.region"() ({
        %run_scoped3A = tpu.sem_alloc : memref<!tpu.dma_semaphore, #tpu.memory_space<semaphore_mem>>
        %dma_start3A = arith.constant 0 : i32
        %dma_start3A_200 = tpu.memref_slice %arg26[%dma_start3A] : memref<32xi32, #tpu.memory_space<vmem>> -> memref<16xi32, #tpu.memory_space<vmem>>
        %dma_start3A_201 = tpu.memref_slice %arg29[%mul3A_15] : memref<512xi32, #tpu.memory_space<vmem_shared>> -> memref<16xi32, #tpu.memory_space<vmem_shared>>
        %dma_start3A_202 = tpu.memref_slice %arg29[%mul3A_15] : memref<512xi32, #tpu.memory_space<vmem_shared>> -> memref<16xi32, #tpu.memory_space<vmem_shared>>
        %dma_start3A_203 = arith.constant 0 : i32
        %dma_start3A_204 = tpu.memref_slice %arg26[%dma_start3A_203] : memref<32xi32, #tpu.memory_space<vmem>> -> memref<16xi32, #tpu.memory_space<vmem>>
        tpu.enqueue_dma source(%dma_start3A_204 : memref<16xi32, #tpu.memory_space<vmem>>) target(%dma_start3A_202 : memref<16xi32, #tpu.memory_space<vmem_shared>>) target_semaphore(%run_scoped3A : memref<!tpu.dma_semaphore, #tpu.memory_space<semaphore_mem>>)
        %dma_wait3A = arith.constant 0 : i32
        %dma_wait3A_205 = tpu.memref_slice %arg26[%dma_wait3A] : memref<32xi32, #tpu.memory_space<vmem>> -> memref<16xi32, #tpu.memory_space<vmem>>
        %dma_wait3A_206 = tpu.memref_slice %arg29[%mul3A_15] : memref<512xi32, #tpu.memory_space<vmem_shared>> -> memref<16xi32, #tpu.memory_space<vmem_shared>>
        %dma_wait3A_207 = tpu.memref_slice %arg29[%mul3A_15] : memref<512xi32, #tpu.memory_space<vmem_shared>> -> memref<16xi32, #tpu.memory_space<vmem_shared>>
        %dma_wait3A_208 = arith.constant 0 : i32
        %dma_wait3A_209 = tpu.memref_slice %arg26[%dma_wait3A_208] : memref<32xi32, #tpu.memory_space<vmem>> -> memref<16xi32, #tpu.memory_space<vmem>>
        tpu.wait_dma2 semaphore(%run_scoped3A : memref<!tpu.dma_semaphore, #tpu.memory_space<semaphore_mem>>) src(%dma_wait3A_209 : memref<16xi32, #tpu.memory_space<vmem>>) dst(%dma_wait3A_207 : memref<16xi32, #tpu.memory_space<vmem_shared>>)
        tpu.yield
      }) : () -> ()
      "tpu.region"() ({
        %run_scoped3A = tpu.sem_alloc : memref<!tpu.dma_semaphore, #tpu.memory_space<semaphore_mem>>
        %dma_start3A = arith.constant 16 : i32
        %dma_start3A_200 = tpu.memref_slice %arg26[%dma_start3A] : memref<32xi32, #tpu.memory_space<vmem>> -> memref<16xi32, #tpu.memory_space<vmem>>
        %dma_start3A_201 = tpu.memref_slice %arg29[%mul3A_18] : memref<512xi32, #tpu.memory_space<vmem_shared>> -> memref<16xi32, #tpu.memory_space<vmem_shared>>
        %dma_start3A_202 = tpu.memref_slice %arg29[%mul3A_18] : memref<512xi32, #tpu.memory_space<vmem_shared>> -> memref<16xi32, #tpu.memory_space<vmem_shared>>
        %dma_start3A_203 = arith.constant 16 : i32
        %dma_start3A_204 = tpu.memref_slice %arg26[%dma_start3A_203] : memref<32xi32, #tpu.memory_space<vmem>> -> memref<16xi32, #tpu.memory_space<vmem>>
        tpu.enqueue_dma source(%dma_start3A_204 : memref<16xi32, #tpu.memory_space<vmem>>) target(%dma_start3A_202 : memref<16xi32, #tpu.memory_space<vmem_shared>>) target_semaphore(%run_scoped3A : memref<!tpu.dma_semaphore, #tpu.memory_space<semaphore_mem>>)
        %dma_wait3A = arith.constant 16 : i32
        %dma_wait3A_205 = tpu.memref_slice %arg26[%dma_wait3A] : memref<32xi32, #tpu.memory_space<vmem>> -> memref<16xi32, #tpu.memory_space<vmem>>
        %dma_wait3A_206 = tpu.memref_slice %arg29[%mul3A_18] : memref<512xi32, #tpu.memory_space<vmem_shared>> -> memref<16xi32, #tpu.memory_space<vmem_shared>>
        %dma_wait3A_207 = tpu.memref_slice %arg29[%mul3A_18] : memref<512xi32, #tpu.memory_space<vmem_shared>> -> memref<16xi32, #tpu.memory_space<vmem_shared>>
        %dma_wait3A_208 = arith.constant 16 : i32
        %dma_wait3A_209 = tpu.memref_slice %arg26[%dma_wait3A_208] : memref<32xi32, #tpu.memory_space<vmem>> -> memref<16xi32, #tpu.memory_space<vmem>>
        tpu.wait_dma2 semaphore(%run_scoped3A : memref<!tpu.dma_semaphore, #tpu.memory_space<semaphore_mem>>) src(%dma_wait3A_209 : memref<16xi32, #tpu.memory_space<vmem>>) dst(%dma_wait3A_207 : memref<16xi32, #tpu.memory_space<vmem_shared>>)
        tpu.yield
      }) : () -> ()
      %barrier3A_145 = arith.constant 0 : index
      tpu.barrier barrier_id(%barrier3A_145)
      %eq3A_146 = arith.constant 0 : i32
      %eq3A_147 = arith.cmpi eq, %arg1, %eq3A_146 : i32
      %convert_element_type3A_148 = arith.extui %eq3A_147 : i1 to i32
      %cond3A_149 = arith.constant 0 : i32
      %cond3A_150 = arith.cmpi ne, %convert_element_type3A_148, %cond3A_149 : i32
      scf.if %cond3A_150 {
        "tpu.region"() ({
          %run_scoped3A = tpu.sem_alloc : memref<!tpu.dma_semaphore, #tpu.memory_space<semaphore_mem>>
          tpu.enqueue_dma source(%arg29 : memref<512xi32, #tpu.memory_space<vmem_shared>>) target(%arg21 : memref<512xi32, #tpu.memory_space<vmem>>) target_semaphore(%run_scoped3A : memref<!tpu.dma_semaphore, #tpu.memory_space<semaphore_mem>>)
          tpu.wait_dma2 semaphore(%run_scoped3A : memref<!tpu.dma_semaphore, #tpu.memory_space<semaphore_mem>>) src(%arg29 : memref<512xi32, #tpu.memory_space<vmem_shared>>) dst(%arg21 : memref<512xi32, #tpu.memory_space<vmem>>)
          tpu.yield
        }) : () -> ()
        %scan3A_200 = arith.constant 0 : i32
        %scan3A_201 = arith.constant 0 : i32
        %scan3A_202 = arith.constant 32 : i32
        %scan3A_203 = arith.addi %scan3A_201, %scan3A_202 : i32
        %scan3A_204 = arith.constant 1 : i32
        scf.for %scan3A_223 = %scan3A_201 to %scan3A_203 step %scan3A_204  : i32 {
          %broadcast_in_dim3A_224 = arith.constant 0 : i32
          %broadcast_in_dim3A_225 = vector.broadcast %broadcast_in_dim3A_224 : i32 to vector<16xi32>
          %mul3A_226 = arith.constant 16 : i32
          %mul3A_227 = arith.muli %scan3A_223, %mul3A_226 : i32
          %swap3A_228 = arith.index_cast %mul3A_227 : i32 to index
          %swap3A_229 = tpu.vector_load %arg22[%swap3A_228] {strides = array<i32>} : memref<512xi32, #tpu.memory_space<vmem>>, vector<16xi32>,
          tpu.vector_store %arg22[%swap3A_228], %broadcast_in_dim3A_225 {strides = array<i32>} : memref<512xi32, #tpu.memory_space<vmem>>, vector<16xi32>,
        }
        %scan3A_205 = arith.constant 32 : i32
        %scan3A_206 = arith.constant 0 : i32
        %scan3A_207 = arith.constant 0 : i32
        %scan3A_208 = arith.constant 32 : i32
        %scan3A_209 = arith.addi %scan3A_207, %scan3A_208 : i32
        %scan3A_210 = arith.constant 1 : i32
        %scan3A_211 = scf.for %scan3A_223 = %scan3A_207 to %scan3A_209 step %scan3A_210 iter_args(%scan3A_224 = %scan3A_206) -> (i32)  : i32 {
          %mul3A_225 = arith.constant 16 : i32
          %mul3A_226 = arith.muli %scan3A_223, %mul3A_225 : i32
          %get3A_227 = arith.index_cast %mul3A_226 : i32 to index
          %get3A_228 = tpu.vector_load %arg21[%get3A_227] {strides = array<i32>} : memref<512xi32, #tpu.memory_space<vmem>>, vector<16xi32>,
          %eq3A_229 = arith.constant 2 : i32
          %eq3A_230 = vector.broadcast %eq3A_229 : i32 to vector<16xi32>
          %eq3A_231 = arith.cmpi eq, %get3A_228, %eq3A_230 : vector<16xi32>
          %reduce_or3A = arith.constant 1.000000e+00 : f32
          %reduce_or3A_232 = arith.constant 0.000000e+00 : f32
          %reduce_or3A_233 = vector.broadcast %reduce_or3A : f32 to vector<16xf32>
          %reduce_or3A_234 = vector.broadcast %reduce_or3A_232 : f32 to vector<16xf32>
          %reduce_or3A_235 = arith.select %eq3A_231, %reduce_or3A_233, %reduce_or3A_234 : vector<16xi1>, vector<16xf32>
          %reduce_or3A_236 = arith.constant true
          %reduce_or3A_237 = vector.broadcast %reduce_or3A_236 : i1 to vector<16xi1>
          %reduce_or3A_238 = tpu.scan <max>, %reduce_or3A_235 masked %reduce_or3A_237 : vector<16xf32>, vector<16xi1> -> vector<16xf32>
          %reduce_or3A_239 = vector.extract %reduce_or3A_238[15] : f32 from vector<16xf32>
          %reduce_or3A_240 = arith.constant 0.000000e+00 : f32
          %reduce_or3A_241 = arith.cmpf ogt, %reduce_or3A_239, %reduce_or3A_240 : f32
          %convert_element_type3A_242 = arith.extui %reduce_or3A_241 : i1 to i32
          %cond3A_243 = arith.constant 0 : i32
          %cond3A_244 = arith.cmpi ne, %convert_element_type3A_242, %cond3A_243 : i32
          %cond3A_245 = scf.if %cond3A_244 -> (i32) {
            %while3A_246:2 = scf.while (%while3A_247 = %scan3A_224, %while3A_248 = %eq3A_231) : (i32, vector<16xi1>) -> (i32, vector<16xi1>) {
              %reduce_or3A_249 = arith.constant 1.000000e+00 : f32
              %reduce_or3A_250 = arith.constant 0.000000e+00 : f32
              %reduce_or3A_251 = vector.broadcast %reduce_or3A_249 : f32 to vector<16xf32>
              %reduce_or3A_252 = vector.broadcast %reduce_or3A_250 : f32 to vector<16xf32>
              %reduce_or3A_253 = arith.select %while3A_248, %reduce_or3A_251, %reduce_or3A_252 : vector<16xi1>, vector<16xf32>
              %reduce_or3A_254 = arith.constant true
              %reduce_or3A_255 = vector.broadcast %reduce_or3A_254 : i1 to vector<16xi1>
              %reduce_or3A_256 = tpu.scan <max>, %reduce_or3A_253 masked %reduce_or3A_255 : vector<16xf32>, vector<16xi1> -> vector<16xf32>
              %reduce_or3A_257 = vector.extract %reduce_or3A_256[15] : f32 from vector<16xf32>
              %reduce_or3A_258 = arith.constant 0.000000e+00 : f32
              %reduce_or3A_259 = arith.cmpf ogt, %reduce_or3A_257, %reduce_or3A_258 : f32
              scf.condition(%reduce_or3A_259) %while3A_247, %while3A_248 : i32, vector<16xi1>
            } do {
            ^bb0(%while3A_247: i32, %while3A_248: vector<16xi1>):
              %all_reduce_ffs3A = tpu.all_reduce %while3A_248 {dim = 0 : i64, kind = #tpu.reduction_kind<find_first_set>} : vector<16xi1> -> vector<16xi32>
              %ne3A_249 = arith.cmpi ne, %iota3A, %all_reduce_ffs3A : vector<16xi32>
              %and3A_250 = arith.andi %while3A_248, %ne3A_249 : vector<16xi1>
              %mul3A_251 = arith.constant 16 : i32
              %mul3A_252 = arith.muli %scan3A_223, %mul3A_251 : i32
              %broadcast_in_dim3A_253 = vector.broadcast %mul3A_252 : i32 to vector<16xi32>
              %add3A_254 = arith.addi %broadcast_in_dim3A_253, %all_reduce_ffs3A : vector<16xi32>
              %add3A_255 = arith.addi %broadcast_in_dim3A_98, %add3A_254 : vector<16xi32>
              %gather3A_256 = tpu.vector_load_idx %arg15[%add3A_255] : memref<5120xi32, #tpu.memory_space<vmem>>[vector<16xi32>], vector<16xi32>,
              %gather3A_257 = tpu.vector_load_idx %arg10[%gather3A_256] : memref<5120xf32, #tpu.memory_space<vmem>>[vector<16xi32>], vector<16xf32>,
              %gather3A_258 = tpu.vector_load_idx %arg11[%gather3A_256] : memref<5120xf32, #tpu.memory_space<vmem>>[vector<16xi32>], vector<16xf32>,
              %gather3A_259 = tpu.vector_load_idx %arg12[%gather3A_256] : memref<5120xf32, #tpu.memory_space<vmem>>[vector<16xi32>], vector<16xf32>,
              %gather3A_260 = tpu.vector_load_idx %arg13[%gather3A_256] : memref<5120xf32, #tpu.memory_space<vmem>>[vector<16xi32>], vector<16xf32>,
              %sub3A_261 = arith.subf %gather3A_259, %gather3A_257 : vector<16xf32>
              %sub3A_262 = arith.subf %gather3A_260, %gather3A_258 : vector<16xf32>
              %mul3A_263 = arith.mulf %sub3A_261, %sub3A_262 : vector<16xf32>
              %add3A_264 = arith.constant 1 : i32
              %add3A_265 = arith.addi %scan3A_223, %add3A_264 : i32
              %while3A_266 = arith.constant 0 : i32
              %while3A_267 = arith.subi %add3A_265, %while3A_266 : i32
              %while3A_268 = arith.addi %while3A_266, %while3A_267 : i32
              %while3A_269 = arith.constant 1 : i32
              %while3A_270 = arith.divsi %while3A_267, %while3A_269 : i32
              %while3A_271 = arith.muli %while3A_270, %while3A_269 : i32
              %while3A_272 = arith.addi %while3A_266, %while3A_271 : i32
              %while3A_273 = arith.constant 1 : i32
              %while3A_274 = scf.for %while3A_293 = %while3A_266 to %while3A_272 step %while3A_273 iter_args(%while3A_294 = %lt3A_3) -> (vector<16xi1>)  : i32 {
                %mul3A_295 = arith.constant 16 : i32
                %mul3A_296 = arith.muli %while3A_293, %mul3A_295 : i32
                %add3A_297 = arith.addi %mul3A_34, %mul3A_296 : i32
                %mul3A_298 = arith.constant 16 : i32
                %mul3A_299 = arith.muli %while3A_293, %mul3A_298 : i32
                %get3A_300 = arith.index_cast %mul3A_299 : i32 to index
                %get3A_301 = tpu.vector_load %arg21[%get3A_300] {strides = array<i32>} : memref<512xi32, #tpu.memory_space<vmem>>, vector<16xi32>,
                %mul3A_302 = arith.constant 16 : i32
                %mul3A_303 = arith.muli %while3A_293, %mul3A_302 : i32
                %add3A_304 = vector.broadcast %mul3A_303 : i32 to vector<16xi32>
                %add3A_305 = arith.addi %iota3A, %add3A_304 : vector<16xi32>
                %get3A_306 = arith.index_cast %add3A_297 : i32 to index
                %get3A_307 = tpu.vector_load %arg15[%get3A_306] {strides = array<i32>} : memref<5120xi32, #tpu.memory_space<vmem>>, vector<16xi32>,
                %gather3A_308 = tpu.vector_load_idx %arg10[%get3A_307] : memref<5120xf32, #tpu.memory_space<vmem>>[vector<16xi32>], vector<16xf32>,
                %gather3A_309 = tpu.vector_load_idx %arg11[%get3A_307] : memref<5120xf32, #tpu.memory_space<vmem>>[vector<16xi32>], vector<16xf32>,
                %gather3A_310 = tpu.vector_load_idx %arg12[%get3A_307] : memref<5120xf32, #tpu.memory_space<vmem>>[vector<16xi32>], vector<16xf32>,
                %gather3A_311 = tpu.vector_load_idx %arg13[%get3A_307] : memref<5120xf32, #tpu.memory_space<vmem>>[vector<16xi32>], vector<16xf32>,
                %sub3A_312 = arith.subf %gather3A_310, %gather3A_308 : vector<16xf32>
                %sub3A_313 = arith.subf %gather3A_311, %gather3A_309 : vector<16xf32>
                %mul3A_314 = arith.mulf %sub3A_312, %sub3A_313 : vector<16xf32>
                %min3A = arith.minimumf %gather3A_259, %gather3A_310 : vector<16xf32>
                %max3A = arith.maximumf %gather3A_257, %gather3A_308 : vector<16xf32>
                %sub3A_315 = arith.subf %min3A, %max3A : vector<16xf32>
                %max3A_316 = arith.constant 0.000000e+00 : f32
                %max3A_317 = vector.broadcast %max3A_316 : f32 to vector<16xf32>
                %max3A_318 = arith.maximumf %sub3A_315, %max3A_317 : vector<16xf32>
                %min3A_319 = arith.minimumf %gather3A_260, %gather3A_311 : vector<16xf32>
                %max3A_320 = arith.maximumf %gather3A_258, %gather3A_309 : vector<16xf32>
                %sub3A_321 = arith.subf %min3A_319, %max3A_320 : vector<16xf32>
                %max3A_322 = arith.constant 0.000000e+00 : f32
                %max3A_323 = vector.broadcast %max3A_322 : f32 to vector<16xf32>
                %max3A_324 = arith.maximumf %sub3A_321, %max3A_323 : vector<16xf32>
                %mul3A_325 = arith.mulf %max3A_318, %max3A_324 : vector<16xf32>
                %add3A_326 = arith.addf %mul3A_263, %mul3A_314 : vector<16xf32>
                %sub3A_327 = arith.subf %add3A_326, %mul3A_325 : vector<16xf32>
                %mul3A_328 = arith.constant 5.000000e-01 : f32
                %mul3A_329 = vector.broadcast %mul3A_328 : f32 to vector<16xf32>
                %mul3A_330 = arith.mulf %mul3A_329, %sub3A_327 : vector<16xf32>
                %gt3A = arith.cmpf ogt, %mul3A_325, %mul3A_330 : vector<16xf32>
                %eq3A_331 = arith.constant 1 : i32
                %eq3A_332 = vector.broadcast %eq3A_331 : i32 to vector<16xi32>
                %eq3A_333 = arith.cmpi eq, %get3A_301, %eq3A_332 : vector<16xi32>
                %and3A_334 = arith.andi %gt3A, %eq3A_333 : vector<16xi1>
                %lt3A_335 = arith.cmpi slt, %add3A_305, %add3A_254 : vector<16xi32>
                %and3A_336 = arith.andi %and3A_334, %lt3A_335 : vector<16xi1>
                %or3A = arith.ori %while3A_294, %and3A_336 : vector<16xi1>
                scf.yield %or3A : vector<16xi1>
              }
              %while3A_275 = arith.constant 1 : i32
              %while3A_276 = scf.for %while3A_293 = %while3A_272 to %while3A_268 step %while3A_275 iter_args(%while3A_294 = %while3A_274) -> (vector<16xi1>)  : i32 {
                %mul3A_295 = arith.constant 16 : i32
                %mul3A_296 = arith.muli %while3A_293, %mul3A_295 : i32
                %add3A_297 = arith.addi %mul3A_34, %mul3A_296 : i32
                %mul3A_298 = arith.constant 16 : i32
                %mul3A_299 = arith.muli %while3A_293, %mul3A_298 : i32
                %get3A_300 = arith.index_cast %mul3A_299 : i32 to index
                %get3A_301 = tpu.vector_load %arg21[%get3A_300] {strides = array<i32>} : memref<512xi32, #tpu.memory_space<vmem>>, vector<16xi32>,
                %mul3A_302 = arith.constant 16 : i32
                %mul3A_303 = arith.muli %while3A_293, %mul3A_302 : i32
                %add3A_304 = vector.broadcast %mul3A_303 : i32 to vector<16xi32>
                %add3A_305 = arith.addi %iota3A, %add3A_304 : vector<16xi32>
                %get3A_306 = arith.index_cast %add3A_297 : i32 to index
                %get3A_307 = tpu.vector_load %arg15[%get3A_306] {strides = array<i32>} : memref<5120xi32, #tpu.memory_space<vmem>>, vector<16xi32>,
                %gather3A_308 = tpu.vector_load_idx %arg10[%get3A_307] : memref<5120xf32, #tpu.memory_space<vmem>>[vector<16xi32>], vector<16xf32>,
                %gather3A_309 = tpu.vector_load_idx %arg11[%get3A_307] : memref<5120xf32, #tpu.memory_space<vmem>>[vector<16xi32>], vector<16xf32>,
                %gather3A_310 = tpu.vector_load_idx %arg12[%get3A_307] : memref<5120xf32, #tpu.memory_space<vmem>>[vector<16xi32>], vector<16xf32>,
                %gather3A_311 = tpu.vector_load_idx %arg13[%get3A_307] : memref<5120xf32, #tpu.memory_space<vmem>>[vector<16xi32>], vector<16xf32>,
                %sub3A_312 = arith.subf %gather3A_310, %gather3A_308 : vector<16xf32>
                %sub3A_313 = arith.subf %gather3A_311, %gather3A_309 : vector<16xf32>
                %mul3A_314 = arith.mulf %sub3A_312, %sub3A_313 : vector<16xf32>
                %min3A = arith.minimumf %gather3A_259, %gather3A_310 : vector<16xf32>
                %max3A = arith.maximumf %gather3A_257, %gather3A_308 : vector<16xf32>
                %sub3A_315 = arith.subf %min3A, %max3A : vector<16xf32>
                %max3A_316 = arith.constant 0.000000e+00 : f32
                %max3A_317 = vector.broadcast %max3A_316 : f32 to vector<16xf32>
                %max3A_318 = arith.maximumf %sub3A_315, %max3A_317 : vector<16xf32>
                %min3A_319 = arith.minimumf %gather3A_260, %gather3A_311 : vector<16xf32>
                %max3A_320 = arith.maximumf %gather3A_258, %gather3A_309 : vector<16xf32>
                %sub3A_321 = arith.subf %min3A_319, %max3A_320 : vector<16xf32>
                %max3A_322 = arith.constant 0.000000e+00 : f32
                %max3A_323 = vector.broadcast %max3A_322 : f32 to vector<16xf32>
                %max3A_324 = arith.maximumf %sub3A_321, %max3A_323 : vector<16xf32>
                %mul3A_325 = arith.mulf %max3A_318, %max3A_324 : vector<16xf32>
                %add3A_326 = arith.addf %mul3A_263, %mul3A_314 : vector<16xf32>
                %sub3A_327 = arith.subf %add3A_326, %mul3A_325 : vector<16xf32>
                %mul3A_328 = arith.constant 5.000000e-01 : f32
                %mul3A_329 = vector.broadcast %mul3A_328 : f32 to vector<16xf32>
                %mul3A_330 = arith.mulf %mul3A_329, %sub3A_327 : vector<16xf32>
                %gt3A = arith.cmpf ogt, %mul3A_325, %mul3A_330 : vector<16xf32>
                %eq3A_331 = arith.constant 1 : i32
                %eq3A_332 = vector.broadcast %eq3A_331 : i32 to vector<16xi32>
                %eq3A_333 = arith.cmpi eq, %get3A_301, %eq3A_332 : vector<16xi32>
                %and3A_334 = arith.andi %gt3A, %eq3A_333 : vector<16xi1>
                %lt3A_335 = arith.cmpi slt, %add3A_305, %add3A_254 : vector<16xi32>
                %and3A_336 = arith.andi %and3A_334, %lt3A_335 : vector<16xi1>
                %or3A = arith.ori %while3A_294, %and3A_336 : vector<16xi1>
                scf.yield %or3A : vector<16xi1>
              }
              %reduce_or3A_277 = arith.constant 1.000000e+00 : f32
              %reduce_or3A_278 = arith.constant 0.000000e+00 : f32
              %reduce_or3A_279 = vector.broadcast %reduce_or3A_277 : f32 to vector<16xf32>
              %reduce_or3A_280 = vector.broadcast %reduce_or3A_278 : f32 to vector<16xf32>
              %reduce_or3A_281 = arith.select %while3A_276, %reduce_or3A_279, %reduce_or3A_280 : vector<16xi1>, vector<16xf32>
              %reduce_or3A_282 = arith.constant true
              %reduce_or3A_283 = vector.broadcast %reduce_or3A_282 : i1 to vector<16xi1>
              %reduce_or3A_284 = tpu.scan <max>, %reduce_or3A_281 masked %reduce_or3A_283 : vector<16xf32>, vector<16xi1> -> vector<16xf32>
              %reduce_or3A_285 = vector.extract %reduce_or3A_284[15] : f32 from vector<16xf32>
              %reduce_or3A_286 = arith.constant 0.000000e+00 : f32
              %reduce_or3A_287 = arith.cmpf ogt, %reduce_or3A_285, %reduce_or3A_286 : f32
              %convert_element_type3A_288 = arith.extui %reduce_or3A_287 : i1 to i32
              %broadcast_in_dim3A_289 = arith.constant 1 : i32
              %broadcast_in_dim3A_290 = vector.broadcast %broadcast_in_dim3A_289 : i32 to vector<16xi32>
              %sub3A_291 = vector.broadcast %convert_element_type3A_288 : i32 to vector<16xi32>
              %sub3A_292 = arith.subi %broadcast_in_dim3A_290, %sub3A_291 : vector<16xi32>
              tpu.vector_store_idx %arg21[%add3A_254], %sub3A_292 masked %eq3A_1 : memref<512xi32, #tpu.memory_space<vmem>>[vector<16xi32>], vector<16xi32>, vector<16xi1>
              scf.yield %scan3A_224, %and3A_250 : i32, vector<16xi1>
            }
            scf.yield %while3A_246#0 : i32
          } else {
            scf.yield %scan3A_224 : i32
          }
          scf.yield %cond3A_245 : i32
        }
        %scan3A_212 = arith.constant 32 : i32
        %scan3A_213 = arith.constant 0 : i32
        %scan3A_214 = arith.constant 0 : i32
        %scan3A_215 = arith.constant 32 : i32
        %scan3A_216 = arith.addi %scan3A_214, %scan3A_215 : i32
        %scan3A_217 = arith.constant 1 : i32
        %scan3A_218 = scf.for %scan3A_223 = %scan3A_214 to %scan3A_216 step %scan3A_217 iter_args(%scan3A_224 = %scan3A_213) -> (i32)  : i32 {
          %mul3A_225 = arith.constant 16 : i32
          %mul3A_226 = arith.muli %scan3A_223, %mul3A_225 : i32
          %get3A_227 = arith.index_cast %mul3A_226 : i32 to index
          %get3A_228 = tpu.vector_load %arg21[%get3A_227] {strides = array<i32>} : memref<512xi32, #tpu.memory_space<vmem>>, vector<16xi32>,
          %eq3A_229 = arith.constant 1 : i32
          %eq3A_230 = vector.broadcast %eq3A_229 : i32 to vector<16xi32>
          %eq3A_231 = arith.cmpi eq, %get3A_228, %eq3A_230 : vector<16xi32>
          %reduce_or3A = arith.constant 1.000000e+00 : f32
          %reduce_or3A_232 = arith.constant 0.000000e+00 : f32
          %reduce_or3A_233 = vector.broadcast %reduce_or3A : f32 to vector<16xf32>
          %reduce_or3A_234 = vector.broadcast %reduce_or3A_232 : f32 to vector<16xf32>
          %reduce_or3A_235 = arith.select %eq3A_231, %reduce_or3A_233, %reduce_or3A_234 : vector<16xi1>, vector<16xf32>
          %reduce_or3A_236 = arith.constant true
          %reduce_or3A_237 = vector.broadcast %reduce_or3A_236 : i1 to vector<16xi1>
          %reduce_or3A_238 = tpu.scan <max>, %reduce_or3A_235 masked %reduce_or3A_237 : vector<16xf32>, vector<16xi1> -> vector<16xf32>
          %reduce_or3A_239 = vector.extract %reduce_or3A_238[15] : f32 from vector<16xf32>
          %reduce_or3A_240 = arith.constant 0.000000e+00 : f32
          %reduce_or3A_241 = arith.cmpf ogt, %reduce_or3A_239, %reduce_or3A_240 : f32
          %convert_element_type3A_242 = arith.extui %reduce_or3A_241 : i1 to i32
          %cond3A_243 = arith.constant 0 : i32
          %cond3A_244 = arith.cmpi ne, %convert_element_type3A_242, %cond3A_243 : i32
          %cond3A_245 = scf.if %cond3A_244 -> (i32) {
            %while3A_246:2 = scf.while (%while3A_247 = %scan3A_224, %while3A_248 = %eq3A_231) : (i32, vector<16xi1>) -> (i32, vector<16xi1>) {
              %reduce_or3A_249 = arith.constant 1.000000e+00 : f32
              %reduce_or3A_250 = arith.constant 0.000000e+00 : f32
              %reduce_or3A_251 = vector.broadcast %reduce_or3A_249 : f32 to vector<16xf32>
              %reduce_or3A_252 = vector.broadcast %reduce_or3A_250 : f32 to vector<16xf32>
              %reduce_or3A_253 = arith.select %while3A_248, %reduce_or3A_251, %reduce_or3A_252 : vector<16xi1>, vector<16xf32>
              %reduce_or3A_254 = arith.constant true
              %reduce_or3A_255 = vector.broadcast %reduce_or3A_254 : i1 to vector<16xi1>
              %reduce_or3A_256 = tpu.scan <max>, %reduce_or3A_253 masked %reduce_or3A_255 : vector<16xf32>, vector<16xi1> -> vector<16xf32>
              %reduce_or3A_257 = vector.extract %reduce_or3A_256[15] : f32 from vector<16xf32>
              %reduce_or3A_258 = arith.constant 0.000000e+00 : f32
              %reduce_or3A_259 = arith.cmpf ogt, %reduce_or3A_257, %reduce_or3A_258 : f32
              scf.condition(%reduce_or3A_259) %while3A_247, %while3A_248 : i32, vector<16xi1>
            } do {
            ^bb0(%while3A_247: i32, %while3A_248: vector<16xi1>):
              %all_reduce_ffs3A = tpu.all_reduce %while3A_248 {dim = 0 : i64, kind = #tpu.reduction_kind<find_first_set>} : vector<16xi1> -> vector<16xi32>
              %ne3A_249 = arith.cmpi ne, %iota3A, %all_reduce_ffs3A : vector<16xi32>
              %and3A_250 = arith.andi %while3A_248, %ne3A_249 : vector<16xi1>
              %mul3A_251 = arith.constant 16 : i32
              %mul3A_252 = arith.muli %scan3A_223, %mul3A_251 : i32
              %broadcast_in_dim3A_253 = vector.broadcast %mul3A_252 : i32 to vector<16xi32>
              %add3A_254 = arith.addi %broadcast_in_dim3A_253, %all_reduce_ffs3A : vector<16xi32>
              %broadcast_in_dim3A_255 = vector.broadcast %while3A_247 : i32 to vector<16xi32>
              tpu.vector_store_idx %arg22[%broadcast_in_dim3A_255], %add3A_254 masked %eq3A_1 : memref<512xi32, #tpu.memory_space<vmem>>[vector<16xi32>], vector<16xi32>, vector<16xi1>
              %add3A_256 = arith.addi %broadcast_in_dim3A_98, %add3A_254 : vector<16xi32>
              tpu.vector_store_idx %arg24[%add3A_256], %broadcast_in_dim3A_4 masked %eq3A_1 : memref<5120xf32, #tpu.memory_space<vmem>>[vector<16xi32>], vector<16xf32>, vector<16xi1>
              %add3A_257 = arith.constant 1 : i32
              %add3A_258 = arith.addi %while3A_247, %add3A_257 : i32
              scf.yield %add3A_258, %and3A_250 : i32, vector<16xi1>
            }
            scf.yield %while3A_246#0 : i32
          } else {
            scf.yield %scan3A_224 : i32
          }
          scf.yield %cond3A_245 : i32
        }
        %scan3A_219 = arith.constant 32 : i32
        "tpu.region"() ({
          %run_scoped3A = tpu.sem_alloc : memref<!tpu.dma_semaphore, #tpu.memory_space<semaphore_mem>>
          tpu.enqueue_dma source(%arg22 : memref<512xi32, #tpu.memory_space<vmem>>) target(%arg30 : memref<512xi32, #tpu.memory_space<vmem_shared>>) target_semaphore(%run_scoped3A : memref<!tpu.dma_semaphore, #tpu.memory_space<semaphore_mem>>)
          tpu.wait_dma2 semaphore(%run_scoped3A : memref<!tpu.dma_semaphore, #tpu.memory_space<semaphore_mem>>) src(%arg22 : memref<512xi32, #tpu.memory_space<vmem>>) dst(%arg30 : memref<512xi32, #tpu.memory_space<vmem_shared>>)
          tpu.yield
        }) : () -> ()
        %broadcast_in_dim3A_220 = vector.broadcast %scan3A_218 : i32 to vector<16xi32>
        %swap3A_221 = arith.constant 0 : index
        %swap3A_222 = tpu.vector_load %arg26[%swap3A_221] {strides = array<i32>} : memref<32xi32, #tpu.memory_space<vmem>>, vector<16xi32>,
        tpu.vector_store %arg26[%swap3A_221], %broadcast_in_dim3A_220 {strides = array<i32>} : memref<32xi32, #tpu.memory_space<vmem>>, vector<16xi32>,
        "tpu.region"() ({
          %run_scoped3A = tpu.sem_alloc : memref<!tpu.dma_semaphore, #tpu.memory_space<semaphore_mem>>
          %dma_start3A = arith.constant 0 : i32
          %dma_start3A_223 = tpu.memref_slice %arg26[%dma_start3A] : memref<32xi32, #tpu.memory_space<vmem>> -> memref<16xi32, #tpu.memory_space<vmem>>
          %dma_start3A_224 = arith.constant 0 : i32
          %dma_start3A_225 = tpu.memref_slice %arg26[%dma_start3A_224] : memref<32xi32, #tpu.memory_space<vmem>> -> memref<16xi32, #tpu.memory_space<vmem>>
          tpu.enqueue_dma source(%dma_start3A_225 : memref<16xi32, #tpu.memory_space<vmem>>) target(%arg31 : memref<16xi32, #tpu.memory_space<vmem_shared>>) target_semaphore(%run_scoped3A : memref<!tpu.dma_semaphore, #tpu.memory_space<semaphore_mem>>)
          %dma_wait3A = arith.constant 0 : i32
          %dma_wait3A_226 = tpu.memref_slice %arg26[%dma_wait3A] : memref<32xi32, #tpu.memory_space<vmem>> -> memref<16xi32, #tpu.memory_space<vmem>>
          %dma_wait3A_227 = arith.constant 0 : i32
          %dma_wait3A_228 = tpu.memref_slice %arg26[%dma_wait3A_227] : memref<32xi32, #tpu.memory_space<vmem>> -> memref<16xi32, #tpu.memory_space<vmem>>
          tpu.wait_dma2 semaphore(%run_scoped3A : memref<!tpu.dma_semaphore, #tpu.memory_space<semaphore_mem>>) src(%dma_wait3A_228 : memref<16xi32, #tpu.memory_space<vmem>>) dst(%arg31 : memref<16xi32, #tpu.memory_space<vmem_shared>>)
          tpu.yield
        }) : () -> ()
      } else {
      }
      %barrier3A_151 = arith.constant 0 : index
      tpu.barrier barrier_id(%barrier3A_151)
      "tpu.region"() ({
        %run_scoped3A = tpu.sem_alloc : memref<!tpu.dma_semaphore, #tpu.memory_space<semaphore_mem>>
        tpu.enqueue_dma source(%arg31 : memref<16xi32, #tpu.memory_space<vmem_shared>>) target(%arg27 : memref<16xi32, #tpu.memory_space<vmem>>) target_semaphore(%run_scoped3A : memref<!tpu.dma_semaphore, #tpu.memory_space<semaphore_mem>>)
        tpu.wait_dma2 semaphore(%run_scoped3A : memref<!tpu.dma_semaphore, #tpu.memory_space<semaphore_mem>>) src(%arg31 : memref<16xi32, #tpu.memory_space<vmem_shared>>) dst(%arg27 : memref<16xi32, #tpu.memory_space<vmem>>)
        tpu.yield
      }) : () -> ()
      %get3A_152 = arith.constant 0 : index
      %get3A_153 = tpu.vector_load %arg27[%get3A_152] {strides = array<i32>} : memref<16xi32, #tpu.memory_space<vmem>>, vector<16xi32>,
      %reduce_max3A = arith.constant true
      %reduce_max3A_154 = vector.broadcast %reduce_max3A : i1 to vector<16xi1>
      %reduce_max3A_155 = arith.constant -2147483648 : i32
      %reduce_max3A_156 = vector.broadcast %reduce_max3A_155 : i32 to vector<16xi32>
      %reduce_max3A_157 = arith.xori %get3A_153, %reduce_max3A_156 : vector<16xi32>
      %reduce_max3A_158 = tpu.scan <max>, %reduce_max3A_157 masked %reduce_max3A_154 : vector<16xi32>, vector<16xi1> -> vector<16xi32>
      %reduce_max3A_159 = arith.xori %reduce_max3A_158, %reduce_max3A_156 : vector<16xi32>
      %reduce_max3A_160 = vector.extract %reduce_max3A_159[15] : i32 from vector<16xi32>
      "tpu.region"() ({
        %run_scoped3A = tpu.sem_alloc : memref<!tpu.dma_semaphore, #tpu.memory_space<semaphore_mem>>
        tpu.enqueue_dma source(%arg30 : memref<512xi32, #tpu.memory_space<vmem_shared>>) target(%arg22 : memref<512xi32, #tpu.memory_space<vmem>>) target_semaphore(%run_scoped3A : memref<!tpu.dma_semaphore, #tpu.memory_space<semaphore_mem>>)
        tpu.wait_dma2 semaphore(%run_scoped3A : memref<!tpu.dma_semaphore, #tpu.memory_space<semaphore_mem>>) src(%arg30 : memref<512xi32, #tpu.memory_space<vmem_shared>>) dst(%arg22 : memref<512xi32, #tpu.memory_space<vmem>>)
        tpu.yield
      }) : () -> ()
      %add3A_161 = arith.constant 16 : i32
      %add3A_162 = arith.addi %reduce_max3A_160, %add3A_161 : i32
      %sub3A_163 = arith.constant 1 : i32
      %sub3A_164 = arith.subi %add3A_162, %sub3A_163 : i32
      %jit3A_165 = arith.constant 16 : i32
      %div3A_166 = arith.divsi %sub3A_164, %jit3A_165 : i32
      %sign3A_167 = arith.constant 0 : i32
      %sign3A_168 = arith.cmpi sgt, %sub3A_164, %sign3A_167 : i32
      %sign3A_169 = arith.extui %sign3A_168 : i1 to i32
      %sign3A_170 = arith.constant 0 : i32
      %sign3A_171 = arith.cmpi slt, %sub3A_164, %sign3A_170 : i32
      %sign3A_172 = arith.extui %sign3A_171 : i1 to i32
      %sign3A_173 = arith.subi %sign3A_169, %sign3A_172 : i32
      %sign3A_174 = arith.constant 0 : i32
      %sign3A_175 = arith.cmpi sgt, %jit3A_165, %sign3A_174 : i32
      %sign3A_176 = arith.extui %sign3A_175 : i1 to i32
      %sign3A_177 = arith.constant 0 : i32
      %sign3A_178 = arith.cmpi slt, %jit3A_165, %sign3A_177 : i32
      %sign3A_179 = arith.extui %sign3A_178 : i1 to i32
      %sign3A_180 = arith.subi %sign3A_176, %sign3A_179 : i32
      %ne3A_181 = arith.cmpi ne, %sign3A_173, %sign3A_180 : i32
      %rem3A_182 = arith.remsi %sub3A_164, %jit3A_165 : i32
      %ne3A_183 = arith.constant 0 : i32
      %ne3A_184 = arith.cmpi ne, %rem3A_182, %ne3A_183 : i32
      %and3A_185 = arith.andi %ne3A_181, %ne3A_184 : i1
      %sub3A_186 = arith.constant 1 : i32
      %sub3A_187 = arith.subi %div3A_166, %sub3A_186 : i32
      %select_n3A_188 = arith.select %and3A_185, %sub3A_187, %div3A_166 : i32
      %while3A_189 = arith.constant 0 : i32
      %while3A_190 = arith.constant 0 : i32
      %while3A_191 = arith.subi %select_n3A_188, %while3A_190 : i32
      %while3A_192 = arith.addi %while3A_190, %while3A_191 : i32
      %while3A_193 = arith.constant 1 : i32
      %while3A_194 = arith.divsi %while3A_191, %while3A_193 : i32
      %while3A_195 = arith.muli %while3A_194, %while3A_193 : i32
      %while3A_196 = arith.addi %while3A_190, %while3A_195 : i32
      %while3A_197 = arith.constant 1 : i32
      scf.for %while3A_200 = %while3A_190 to %while3A_196 step %while3A_197  : i32 {
        %mul3A_201 = arith.constant 16 : i32
        %mul3A_202 = arith.muli %while3A_200, %mul3A_201 : i32
        %get3A_203 = arith.index_cast %mul3A_202 : i32 to index
        %get3A_204 = tpu.vector_load %arg22[%get3A_203] {strides = array<i32>} : memref<512xi32, #tpu.memory_space<vmem>>, vector<16xi32>,
        %add3A_205 = arith.addi %broadcast_in_dim3A_98, %get3A_204 : vector<16xi32>
        %mul3A_206 = arith.constant 16 : i32
        %mul3A_207 = arith.muli %while3A_200, %mul3A_206 : i32
        %add3A_208 = vector.broadcast %mul3A_207 : i32 to vector<16xi32>
        %add3A_209 = arith.addi %iota3A, %add3A_208 : vector<16xi32>
        %lt3A_210 = vector.broadcast %reduce_max3A_160 : i32 to vector<16xi32>
        %lt3A_211 = arith.cmpi slt, %add3A_209, %lt3A_210 : vector<16xi32>
        %mul3A_212 = arith.constant 16 : i32
        %mul3A_213 = arith.muli %while3A_200, %mul3A_212 : i32
        %add3A_214 = arith.addi %scan3A_32, %mul3A_213 : i32
        %add3A_215 = vector.broadcast %add3A_214 : i32 to vector<16xi32>
        %add3A_216 = arith.addi %iota3A, %add3A_215 : vector<16xi32>
        %gather3A_217 = tpu.vector_load_idx %arg15[%add3A_205] : memref<5120xi32, #tpu.memory_space<vmem>>[vector<16xi32>], vector<16xi32>,
        %gather3A_218 = tpu.vector_load_idx %arg10[%gather3A_217] : memref<5120xf32, #tpu.memory_space<vmem>>[vector<16xi32>], vector<16xf32>,
        %gather3A_219 = tpu.vector_load_idx %arg11[%gather3A_217] : memref<5120xf32, #tpu.memory_space<vmem>>[vector<16xi32>], vector<16xf32>,
        %gather3A_220 = tpu.vector_load_idx %arg12[%gather3A_217] : memref<5120xf32, #tpu.memory_space<vmem>>[vector<16xi32>], vector<16xf32>,
        %gather3A_221 = tpu.vector_load_idx %arg13[%gather3A_217] : memref<5120xf32, #tpu.memory_space<vmem>>[vector<16xi32>], vector<16xf32>,
        %gather3A_222 = tpu.vector_load_idx %arg14[%gather3A_217] : memref<5120xf32, #tpu.memory_space<vmem>>[vector<16xi32>], vector<16xf32>,
        tpu.vector_store_idx %arg25[%add3A_205], %gather3A_222 masked %lt3A_211 : memref<5120xf32, #tpu.memory_space<vmem>>[vector<16xi32>], vector<16xf32>, vector<16xi1>
        tpu.vector_store_idx %arg16[%add3A_216], %gather3A_218 masked %lt3A_211 : memref<5120xf32, #tpu.memory_space<vmem>>[vector<16xi32>], vector<16xf32>, vector<16xi1>
        tpu.vector_store_idx %arg17[%add3A_216], %gather3A_219 masked %lt3A_211 : memref<5120xf32, #tpu.memory_space<vmem>>[vector<16xi32>], vector<16xf32>, vector<16xi1>
        tpu.vector_store_idx %arg18[%add3A_216], %gather3A_220 masked %lt3A_211 : memref<5120xf32, #tpu.memory_space<vmem>>[vector<16xi32>], vector<16xf32>, vector<16xi1>
        tpu.vector_store_idx %arg19[%add3A_216], %gather3A_221 masked %lt3A_211 : memref<5120xf32, #tpu.memory_space<vmem>>[vector<16xi32>], vector<16xf32>, vector<16xi1>
        %sub3A_223 = arith.subf %gather3A_220, %gather3A_218 : vector<16xf32>
        %sub3A_224 = arith.subf %gather3A_221, %gather3A_219 : vector<16xf32>
        %mul3A_225 = arith.mulf %sub3A_223, %sub3A_224 : vector<16xf32>
        tpu.vector_store_idx %arg20[%add3A_216], %mul3A_225 masked %lt3A_211 : memref<5120xf32, #tpu.memory_space<vmem>>[vector<16xi32>], vector<16xf32>, vector<16xi1>
      }
      %while3A_198 = arith.constant 1 : i32
      scf.for %while3A_200 = %while3A_196 to %while3A_192 step %while3A_198  : i32 {
        %mul3A_201 = arith.constant 16 : i32
        %mul3A_202 = arith.muli %while3A_200, %mul3A_201 : i32
        %get3A_203 = arith.index_cast %mul3A_202 : i32 to index
        %get3A_204 = tpu.vector_load %arg22[%get3A_203] {strides = array<i32>} : memref<512xi32, #tpu.memory_space<vmem>>, vector<16xi32>,
        %add3A_205 = arith.addi %broadcast_in_dim3A_98, %get3A_204 : vector<16xi32>
        %mul3A_206 = arith.constant 16 : i32
        %mul3A_207 = arith.muli %while3A_200, %mul3A_206 : i32
        %add3A_208 = vector.broadcast %mul3A_207 : i32 to vector<16xi32>
        %add3A_209 = arith.addi %iota3A, %add3A_208 : vector<16xi32>
        %lt3A_210 = vector.broadcast %reduce_max3A_160 : i32 to vector<16xi32>
        %lt3A_211 = arith.cmpi slt, %add3A_209, %lt3A_210 : vector<16xi32>
        %mul3A_212 = arith.constant 16 : i32
        %mul3A_213 = arith.muli %while3A_200, %mul3A_212 : i32
        %add3A_214 = arith.addi %scan3A_32, %mul3A_213 : i32
        %add3A_215 = vector.broadcast %add3A_214 : i32 to vector<16xi32>
        %add3A_216 = arith.addi %iota3A, %add3A_215 : vector<16xi32>
        %gather3A_217 = tpu.vector_load_idx %arg15[%add3A_205] : memref<5120xi32, #tpu.memory_space<vmem>>[vector<16xi32>], vector<16xi32>,
        %gather3A_218 = tpu.vector_load_idx %arg10[%gather3A_217] : memref<5120xf32, #tpu.memory_space<vmem>>[vector<16xi32>], vector<16xf32>,
        %gather3A_219 = tpu.vector_load_idx %arg11[%gather3A_217] : memref<5120xf32, #tpu.memory_space<vmem>>[vector<16xi32>], vector<16xf32>,
        %gather3A_220 = tpu.vector_load_idx %arg12[%gather3A_217] : memref<5120xf32, #tpu.memory_space<vmem>>[vector<16xi32>], vector<16xf32>,
        %gather3A_221 = tpu.vector_load_idx %arg13[%gather3A_217] : memref<5120xf32, #tpu.memory_space<vmem>>[vector<16xi32>], vector<16xf32>,
        %gather3A_222 = tpu.vector_load_idx %arg14[%gather3A_217] : memref<5120xf32, #tpu.memory_space<vmem>>[vector<16xi32>], vector<16xf32>,
        tpu.vector_store_idx %arg25[%add3A_205], %gather3A_222 masked %lt3A_211 : memref<5120xf32, #tpu.memory_space<vmem>>[vector<16xi32>], vector<16xf32>, vector<16xi1>
        tpu.vector_store_idx %arg16[%add3A_216], %gather3A_218 masked %lt3A_211 : memref<5120xf32, #tpu.memory_space<vmem>>[vector<16xi32>], vector<16xf32>, vector<16xi1>
        tpu.vector_store_idx %arg17[%add3A_216], %gather3A_219 masked %lt3A_211 : memref<5120xf32, #tpu.memory_space<vmem>>[vector<16xi32>], vector<16xf32>, vector<16xi1>
        tpu.vector_store_idx %arg18[%add3A_216], %gather3A_220 masked %lt3A_211 : memref<5120xf32, #tpu.memory_space<vmem>>[vector<16xi32>], vector<16xf32>, vector<16xi1>
        tpu.vector_store_idx %arg19[%add3A_216], %gather3A_221 masked %lt3A_211 : memref<5120xf32, #tpu.memory_space<vmem>>[vector<16xi32>], vector<16xf32>, vector<16xi1>
        %sub3A_223 = arith.subf %gather3A_220, %gather3A_218 : vector<16xf32>
        %sub3A_224 = arith.subf %gather3A_221, %gather3A_219 : vector<16xf32>
        %mul3A_225 = arith.mulf %sub3A_223, %sub3A_224 : vector<16xf32>
        tpu.vector_store_idx %arg20[%add3A_216], %mul3A_225 masked %lt3A_211 : memref<5120xf32, #tpu.memory_space<vmem>>[vector<16xi32>], vector<16xf32>, vector<16xi1>
      }
      %add3A_199 = arith.addi %scan3A_32, %reduce_max3A_160 : i32
      scf.yield %add3A_199 : i32
    }
    %scan3A_25 = arith.constant 10 : i32
    %eq3A_26 = arith.constant 0 : i32
    %eq3A_27 = arith.cmpi eq, %arg1, %eq3A_26 : i32
    %convert_element_type3A_28 = arith.extui %eq3A_27 : i1 to i32
    %cond3A_29 = arith.constant 0 : i32
    %cond3A_30 = arith.cmpi ne, %convert_element_type3A_28, %cond3A_29 : i32
    scf.if %cond3A_30 {
      "tpu.region"() ({
        %run_scoped3A = tpu.sem_alloc : memref<!tpu.dma_semaphore, #tpu.memory_space<semaphore_mem>>
        tpu.enqueue_dma source(%arg24 : memref<5120xf32, #tpu.memory_space<vmem>>) target(%arg8 : memref<5120xf32, #tpu.memory_space<hbm>>) target_semaphore(%run_scoped3A : memref<!tpu.dma_semaphore, #tpu.memory_space<semaphore_mem>>)
        tpu.wait_dma2 semaphore(%run_scoped3A : memref<!tpu.dma_semaphore, #tpu.memory_space<semaphore_mem>>) src(%arg24 : memref<5120xf32, #tpu.memory_space<vmem>>) dst(%arg8 : memref<5120xf32, #tpu.memory_space<hbm>>)
        tpu.yield
      }) : () -> ()
      "tpu.region"() ({
        %run_scoped3A = tpu.sem_alloc : memref<!tpu.dma_semaphore, #tpu.memory_space<semaphore_mem>>
        tpu.enqueue_dma source(%arg25 : memref<5120xf32, #tpu.memory_space<vmem>>) target(%arg9 : memref<5120xf32, #tpu.memory_space<hbm>>) target_semaphore(%run_scoped3A : memref<!tpu.dma_semaphore, #tpu.memory_space<semaphore_mem>>)
        tpu.wait_dma2 semaphore(%run_scoped3A : memref<!tpu.dma_semaphore, #tpu.memory_space<semaphore_mem>>) src(%arg25 : memref<5120xf32, #tpu.memory_space<vmem>>) dst(%arg9 : memref<5120xf32, #tpu.memory_space<hbm>>)
        tpu.yield
      }) : () -> ()
    } else {
    }
    return
  }
}

</mosaic_0001>

<sc_bundles>
// kernel: _nms_run.3.cloned.1.call-start
scs
__scs_entry_jumppad:
0x0: {  	(pc) =	sbr.rel $0x88, $3  }
0x1: {  	(tag) =	ssettag $0x0;
	lr =	simm.s32 $0x1  }
0x2: {  	[smem:$0x3F9B] =	sst lr;
	_ =	strace $0xD0000000  }
0x3: {  	_ = 	snop  }
0x4: {  	_ = 	snop  }
0x5: {  	_ = 	snop  }
0x6: {  	_ = 	snop  }
0x7: {  	_ = 	snop  }
__scs_overlays_trampoline_lowered:
0x8: {  	[smem:$0x3FAA] =	sst s0  }
0x9: {  	[smem:$0x3FAB] =	sst s1  }
0xa: {  	[smem:$0x3FAC] =	sst s2  }
0xb: {  	[smem:$0x3FAD] =	sst s3  }
0xc: {  	[smem:$0x3FAE] =	sst s4  }
0xd: {  	[smem:$0x3FAF] =	sst s5  }
0xe: {  	[smem:$0x3FB0] =	sst s6  }
0xf: {  	[smem:$0x3FB1] =	sst s7  }
0x10: {  	[smem:$0x3FB2] =	sst s8  }
0x11: {  	[smem:$0x3FB3] =	sst s9;
	s0 =	simm.s32 @!p0 $0x0  }
0x12: {  	s1 =	sld [smem:$0x3F99];
	s0 =	simm.s32 @p0 $0x1  }
0x13: {  	[smem:$0x3FB4] =	sst s0;
	s0 =	simm.s32 @!p1 $0x0  }
0x14: {  	s2 =	sld [smem:$0x3F98];
	s0 =	simm.s32 @p1 $0x1  }
0x15: {  	[smem:$0x3FB5] =	sst s0;
	s0 =	simm.s32 @!p2 $0x0  }
0x16: {  	s3 =	sld [smem:$0x3FDB];
	s0 =	simm.s32 @p2 $0x1  }
0x17: {  	s4 =	simm.s32 $0x1BF5;
	[smem:$0x3FB7] =	sst s0  }
0x18: {  	s0 =	sld [smem:$0x3F9A];
	_ =	swait.ge [sflag:s4], $0x0  }
0x19: {  	s7 =	sld [smem:$0x3F9B]  }
0x1a: {  	s8 =	sadd.s32 $0xFFFFE003, lr  }
0x1b: {  	s9 =	sadd.s32 $0xFFFFFEF7, lr;
	s5 =	simm.s32 $0xFFFFFFFF;
	p2 =	slt.u32 s8, $0xFFFFF086  }
0x1c: {  	p1 =	slt.u32 s9, $0xF7A;
	s5 =	simm.s32 @!p2 $0x0  }
0x1d: {  	s5 =	simm.s32 @p1 $0x1;
	p0 =	seq.s32 s7, s2  }
0x1e: {  	s7 =	smul.u32 @!p0 $0xF7A, s2;
	p2 =	seq.s32 @!p0 s5, $0x0  }
0x1f: {  	s9 =	smul.u32 $0xF7A, s1;
	s8 =	simm.s32 @!p0 $0x1BF5;
	p2 =	por !p2, p0  }
0x20: {  	[sflag:s8] =	ssyncset.s32 @!p0 $0xFFFFF086;
	s6 =	sadd.s32 @!p0 s3, s7;
	s7 =	simm.s32 @!p0 $0x108  }
0x21: {  	s3 =	sadd.s32 s3, s9;
	s6 =	sadd.s32 @!p0 $0x88, s6;
	s7 =	simm.s32 @p2 $0x1082  }
0x22: {  	[simem:s7], [sflag:s8] =	dma.local @!p0 [hbm:s6], $0xF7A  }
0x23: {  	s9 =	sor.u32 $0xD0000000, s2;
	s6 =	simm.s32 $0x108;
	_ =	swait.ge @!p0 [sflag:s8], $0x0  }
0x24: {  	s3 =	sadd.s32 $0x88, s3;
	s6 =	simm.s32 @!p1 $0x1082;
	[sflag:s4] =	ssyncset.s32 $0xFFFFF086  }
0x25: {  	[simem:s6], [sflag:s4] =	dma.local [hbm:s3], $0xF7A  }
0x26: {  	[smem:$0x3F9B] =	sst s1;
	(tag) =	ssettag s2;
	_ =	strace s9  }
0x27: {  	s1 =	sld [smem:$0x3FAB]  }
0x28: {  	s2 =	sld [smem:$0x3FAC]  }
0x29: {  	s4 =	sld [smem:$0x3FAE]  }
0x2a: {  	p0 =	seq.s32 s5, $0x0;
	s5 =	sld [smem:$0x3FAF]  }
0x2b: {  	s6 =	sld [smem:$0x3FB0]  }
0x2c: {  	s7 =	sld [smem:$0x3FB1]  }
0x2d: {  	s3 =	simm.s32 $0x108;
	s8 =	sld [smem:$0x3FB2]  }
0x2e: {  	s3 =	simm.s32 @!p0 $0x1082;
	s9 =	sld [smem:$0x3FB3]  }
0x2f: {  	lr =	sadd.s32 s0, s3;
	s0 =	sld [smem:$0x3FAA]  }
0x30: {  	s3 =	sld [smem:$0x3FAD]  }
0x31: {  	[smem:$0x3FB6] =	sst s10  }
0x32: {  	s10 =	sld [smem:$0x3FB4];
	_ =	sdelay $0x3  }
0x33: {  	p0 =	seq.s32 s10, $0x1;
	s10 =	sld [smem:$0x3FB6];
	_ =	sdelay $0x3  }
0x34: {  	[smem:$0x3FB6] =	sst s10  }
0x35: {  	s10 =	sld [smem:$0x3FB5];
	_ =	sdelay $0x3  }
0x36: {  	p1 =	seq.s32 s10, $0x1;
	s10 =	sld [smem:$0x3FB6];
	_ =	sdelay $0x3  }
0x37: {  	[smem:$0x3FB6] =	sst s10  }
0x38: {  	s10 =	sld [smem:$0x3FB7]  }
0x39: {  	_ = 	snop;
	(pc) =	sbr.ind lr, $3  }
0x3a: {  	_ = 	snop  }
0x3b: {  	_ = 	snop  }
0x3c: {  	p2 =	seq.s32 s10, $0x1;
	s10 =	sld [smem:$0x3FB6]  }
0x3d: {  	_ =	shalt  }
0x3e: {  	_ =	shalt  }
0x3f: {  	_ =	shalt  }
0x40: {  	_ =	shalt  }
0x41: {  	_ =	shalt  }
0x42: {  	_ =	shalt  }
0x43: {  	_ =	shalt  }
0x44: {  	_ =	shalt  }
0x45: {  	_ =	shalt  }
0x46: {  	_ =	shalt  }
0x47: {  	_ =	shalt  }
0x48: {  	_ =	shalt  }
0x49: {  	_ =	shalt  }
0x4a: {  	_ =	shalt  }
0x4b: {  	_ =	shalt  }
0x4c: {  	_ =	shalt  }
0x4d: {  	_ =	shalt  }
0x4e: {  	_ =	shalt  }
0x4f: {  	_ =	shalt  }
0x50: {  	_ =	shalt  }
0x51: {  	_ =	shalt  }
0x52: {  	_ =	shalt  }
0x53: {  	_ =	shalt  }
0x54: {  	_ =	shalt  }
0x55: {  	_ =	shalt  }
0x56: {  	_ =	shalt  }
0x57: {  	_ =	shalt  }
0x58: {  	_ =	shalt  }
0x59: {  	_ =	shalt  }
0x5a: {  	_ =	shalt  }
0x5b: {  	_ =	shalt  }
0x5c: {  	_ =	shalt  }
0x5d: {  	_ =	shalt  }
0x5e: {  	_ =	shalt  }
0x5f: {  	_ =	shalt  }
0x60: {  	_ =	shalt  }
0x61: {  	_ =	shalt  }
0x62: {  	_ =	shalt  }
0x63: {  	_ =	shalt  }
0x64: {  	_ =	shalt  }
0x65: {  	_ =	shalt  }
0x66: {  	_ =	shalt  }
0x67: {  	_ =	shalt  }
0x68: {  	_ =	shalt  }
0x69: {  	_ =	shalt  }
0x6a: {  	_ =	shalt  }
0x6b: {  	_ =	shalt  }
0x6c: {  	_ =	shalt  }
0x6d: {  	_ =	shalt  }
0x6e: {  	_ =	shalt  }
0x6f: {  	_ =	shalt  }
0x70: {  	_ =	shalt  }
0x71: {  	_ =	shalt  }
0x72: {  	_ =	shalt  }
0x73: {  	_ =	shalt  }
0x74: {  	_ =	shalt  }
0x75: {  	_ =	shalt  }
0x76: {  	_ =	shalt  }
0x77: {  	_ =	shalt  }
0x78: {  	_ =	shalt  }
0x79: {  	_ =	shalt  }
0x7a: {  	_ =	shalt  }
0x7b: {  	_ =	shalt  }
0x7c: {  	_ =	shalt  }
0x7d: {  	_ =	shalt  }
0x7e: {  	_ =	shalt  }
0x7f: {  	_ =	shalt  }
0x80: {  	_ =	shalt  }
0x81: {  	_ =	shalt  }
0x82: {  	_ =	shalt  }
0x83: {  	_ =	shalt  }
0x84: {  	_ =	shalt  }
0x85: {  	_ =	shalt  }
0x86: {  	_ =	shalt  }
0x87: {  	_ =	shalt  }
.Lfunc_end0:
.L_simem_size_0:
called_computation_lowered:
.L_overlay_start_0:
0x88: {  	s0 =	sld [smem:$0x3FD9]  }
0x89: {  	s1 =	sld [smem:$0x3FFE];
	_ =	sdelay $0x3  }
0x8a: {  	s0 =	sadd.s32 s1, s0  }
0x8b: {  	[smem:$0x3FC2] =	sst s0  }
0x8c: {  	_ = 	snop  }
0x8d: {  	s0 =	sld [smem:$0x3FC9]  }
0x8e: {  	s14 =	sld [smem:$0x3FC8]  }
0x8f: {  	s2 =	sld [smem:$0x3FC7]  }
0x90: {  	s3 =	sld [smem:$0x3FD0]  }
0x91: {  	s4 =	sld [smem:$0x3FC6]  }
0x92: {  	s5 =	sld [smem:$0x3FC5]  }
0x93: {  	s7 =	simm.s32 $0xA;
	s8 =	simm.s32 $0x10;
	s6 =	sld [smem:$0x3FC4]  }
0x94: {  	[smem:s8], [sflag:s7] =	dma.local [hbm:s3], $0x1  }
0x95: {  	_ =	swait.eq [sflag:s7], $0x1  }
0x96: {  	[sflag:s7] =	ssyncset.done $0x0  }
0x97: {  	s15 =	sld [smem:$0x10];
	[sflag:s7] =	ssyncadd.s32 $0xFFFFFFFF  }
0x98: {  	s16 =	sld [smem:$0x11];
	(tm) =	ssettm $0x1  }
0x99: {  	s17 =	sld [smem:$0x3FFB];
	_ =	sdelay $0x3  }
0x9a: {  	_ =	strace s17  }
0x9b: {  	s8 =	sld [smem:$0x3FFC];
	_ =	sdelay $0x3  }
0x9c: {  	_ =	strace s8  }
0x9d: {  	s8 =	sld [smem:$0x3FFD];
	_ =	sdelay $0x3  }
0x9e: {  	_ =	strace s8  }
0x9f: {  	_ =	strace $0x8FFFFFFF  }
0xa0: {  	s18 =	sld [smem:$0x3FDB];
	_ =	sdelay $0x1  }
0xa1: {  	s9 =	simm.s32 $_scs_section_size  }
0xa2: {  	s10 =	simm.s32 $_size__tile_overlayer_lowered;
	s11 =	simm.s32 $_tile_overlayer_lowered  }
0xa3: {  	s21 =	simm.s32 $0x1BFF;
	s20 =	sshll.u32 s11, $0x1;
	s8 =	sadd.s32 s9, s18  }
0xa4: {  	s12 =	simm.s32 $0x0;
	s19 =	sshll.u32 s10, $0x1;
	s10 =	sadd.s32 s20, s8  }
0xa5: {  	[timem:s12], [sflag:s21] =	dma.local [hbm:s10], s19  }
0xa6: {  	_ =	swait.ge [sflag:s21], s19  }
0xa7: {  	s9 =	ssub.s32 $0x0, s19;
	[sflag:s21] =	ssyncset.done $0x0  }
0xa8: {  	[sflag:s21] =	ssyncadd.s32 s9;
	_ =	sdelay $0x1  }
0xa9: {  	s22 =	simm.s32 $0x1B8B  }
0xaa: {  	_ =	swait.ge [sflag:s22], $0x1  }
0xab: {  	[sflag:s22] =	ssyncset.done $0x0  }
0xac: {  	s23 =	simm.s32 $0x1B8E;
	[sflag:s22] =	ssyncadd.s32 $0xFFFFFFFF  }
0xad: {  	s24 =	simm.s32 $execute0_lowered;
	[smem:$0x3FD2] =	sst s23  }
0xae: {  	s9 =	sshll.u32 s24, $0x1;
	_ =	strace $0x80000046;
	[dreg:$0x1] =	wrdreg $0xFFFFFFFF  }
0xaf: {  	s25 =	simm.s32 $_size_execute0_lowered;
	s8 =	sadd.s32 s8, s9;
	[dreg:$0x0] =	wrdreg $0x0  }
0xb0: {  	s9 =	sshll.u32 s25, $0x1;
	[dreg:$0x2] =	wrdreg s8  }
0xb1: {  	[dreg:$0x3] =	wrdreg s9  }
0xb2: {  	[dreg:$0x4] =	wrdreg $0xC0  }
0xb3: {  	_ =	task [dreg:s12], $0x5FFFF  }
0xb4: {  	[dreg:$0x1] =	wrdreg $0xFFFFFFFF  }
0xb5: {  	[dreg:$0x0] =	wrdreg $0x60  }
0xb6: {  	[dreg:$0x2] =	wrdreg s0  }
0xb7: {  	[dreg:$0x3] =	wrdreg s14  }
0xb8: {  	[dreg:$0x4] =	wrdreg s2  }
0xb9: {  	[dreg:$0x5] =	wrdreg s4  }
0xba: {  	[dreg:$0x6] =	wrdreg s5  }
0xbb: {  	[dreg:$0x7] =	wrdreg s6  }
0xbc: {  	[dreg:$0x8] =	wrdreg s15  }
0xbd: {  	[dreg:$0x9] =	wrdreg s16  }
0xbe: {  	[dreg:$0xa] =	wrdreg $0x10B000  }
0xbf: {  	[dreg:$0xb] =	wrdreg $0x10B200  }
0xc0: {  	[dreg:$0xc] =	wrdreg $0x10B400  }
0xc1: {  	[dreg:$0xd] =	wrdreg $0x10B600  }
0xc2: {  	[dreg:$0xe] =	wrdreg $0x9  }
0xc3: {  	_ =	task.clear_ibuf [dreg:s12], $0xFFFFF;
	_ =	strace $0x90000046  }
0xc4: {  	s26 =	simm.s32 $0x9;
	_ =	strace $0x80000048  }
0xc5: {  	_ =	swait.ge [sflag:s26], $0x1  }
0xc6: {  	[sflag:s26] =	ssyncadd.s32 $0xFFFFFFFF  }
0xc7: {  	_ =	strace $0x90000048  }
0xc8: {  	_ =	sfence  }
0xc9: {  	s28 =	sld [smem:$0x0];
	_ =	sdelay $0x1  }
0xca: {  	s29 =	srdreg.scid  }
0xcb: {  	s30 =	sshll.u32 s29, $0xD;
	s31 =	sshrl.u32 s29, $0x2  }
0xcc: {  	s1 =	sand.u32 $0x1, s29;
	s2 =	sand.u32 $0x4000, s30;
	s0 =	sadd.s32 s31, s28  }
0xcd: {  	s1 =	sor.u32 s2, s1;
	s0 =	sshll.u32 s0, $0x11  }
0xce: {  	s0 =	sor.u32 s0, s1  }
0xcf: {  	s0 =	sadd.s32 $0x8F2B, s0  }
0xd0: {  	[sflag:s0] =	ssyncadd.remote.s32 $0x1  }
0xd1: {  	_ =	sfence.sel $0xFFFF  }
0xd2: {  	[dreg:$0x0] =	wrdreg $0xFFFFFFFF;
	(pc) =	sbr.abs _section_cstart, $3  }
0xd3: {  	[dreg:$0x1] =	wrdreg $0xFFFFFFFF  }
0xd4: {  	_ =	task.clear_ibuf [dreg:s12], $0x2FFFF;
	_ =	strace $0x9FFFFFFF  }
0xd5: {  	(tm) =	ssettm $0x7FFFFFFF  }
tec
execute0_lowered:
.L_overlay_start_1:
0x0: {  	(tag) =	ssettag $0x1  }
0x1: {  	s0 =	rddreg [dreg:$0x0]  }
0x2: {  	s1 =	rddreg [dreg:$0x1]  }
0x3: {  	s2 =	rddreg [dreg:$0x2]  }
0x4: {  	s3 =	rddreg [dreg:$0x3]  }
0x5: {  	s4 =	rddreg [dreg:$0x4]  }
0x6: {  	s5 =	rddreg [dreg:$0x5]  }
0x7: {  	s10 =	rddreg [dreg:$0xa]  }
0x8: {  	s12 =	rddreg [dreg:$0xb]  }
0x9: {  	_ =	strace $0x80000047;
	s6 =	simm.s32 $0x0;
	s7 =	simm.s32 $0x1  }
0xa: {  	[tilespmem:s6], [sflag:$0x1] =	stream.linear.gather [hbm4b:s0+s6], $0x1400, $0x38;
	[tilespmem:$0x10B68] =	vst v63  }
0xb: {  	_ =	swait.ge [sflag:s7], $0x1400  }
0xc: {  	[sflag:s7] =	ssyncset.done $0x0  }
0xd: {  	s26 =	simm.s32 $0x1400;
	[sflag:s7] =	ssyncadd.s32 $0xFFFFEC00  }
0xe: {  	[tilespmem:s26], [sflag:$0x1] =	stream.linear.gather [hbm4b:s1+s6], $0x1400, $0x38;
	[tilespmem:$0x10B68] =	vst v63  }
0xf: {  	_ =	swait.ge [sflag:s7], $0x1400  }
0x10: {  	[sflag:s7] =	ssyncset.done $0x0  }
0x11: {  	s28 =	simm.s32 $0x2800;
	[sflag:s7] =	ssyncadd.s32 $0xFFFFEC00  }
0x12: {  	[tilespmem:s28], [sflag:$0x1] =	stream.linear.gather [hbm4b:s2+s6], $0x1400, $0x38;
	[tilespmem:$0x10B68] =	vst v63  }
0x13: {  	_ =	swait.ge [sflag:s7], $0x1400  }
0x14: {  	[sflag:s7] =	ssyncset.done $0x0  }
0x15: {  	s29 =	simm.s32 $0x3C00;
	[sflag:s7] =	ssyncadd.s32 $0xFFFFEC00  }
0x16: {  	[tilespmem:s29], [sflag:$0x1] =	stream.linear.gather [hbm4b:s3+s6], $0x1400, $0x38;
	[tilespmem:$0x10B68] =	vst v63  }
0x17: {  	_ =	swait.ge [sflag:s7], $0x1400  }
0x18: {  	[sflag:s7] =	ssyncset.done $0x0  }
0x19: {  	s30 =	simm.s32 $0x5000;
	[sflag:s7] =	ssyncadd.s32 $0xFFFFEC00  }
0x1a: {  	[tilespmem:s30], [sflag:$0x1] =	stream.linear.gather [hbm4b:s4+s6], $0x1400, $0x38;
	[tilespmem:$0x10B68] =	vst v63  }
0x1b: {  	_ =	swait.ge [sflag:s7], $0x1400  }
0x1c: {  	[sflag:s7] =	ssyncset.done $0x0  }
0x1d: {  	s31 =	simm.s32 $0x6400;
	[sflag:s7] =	ssyncadd.s32 $0xFFFFEC00  }
0x1e: {  	[tilespmem:s31], [sflag:$0x1] =	stream.linear.gather [hbm4b:s5+s6], $0x1400, $0x38;
	[tilespmem:$0x10B68] =	vst v63  }
0x1f: {  	_ =	swait.ge [sflag:s7], $0x1400  }
0x20: {  	s0 =	stileid.u32;
	[sflag:s7] =	ssyncset.done $0x0  }
0x21: {  	v0 =	vimm.f32 $2.000000000e+09;
	v1 =	vimm.f32 $1.000000000e+00;
	s1 =	simm.s32 $0x0;
	s2 =	simm.s32 $0x40;
	[sflag:s7] =	ssyncadd.s32 $0xFFFFEC00  }
.LBB2_1:
0x22: {  	p0 =	sne.s32 s2, $0x4FC0;
	[tilespmem:s1+$0xC800] =	vst v1;
	s3 =	smov.u32 s2;
	s2 =	sadd.s32 $0x40, s2  }
.Ltmp0:
0x23: {  	[tilespmem:s1+$0xB400] =	vst v0;
	(pc) =	sbr.rel @p0 .LBB2_1-.Ltmp0, $4  }
0x24: {  	[tilespmem:s1+$0xA000] =	vst v0  }
0x25: {  	[tilespmem:s1+$0x7800] =	vst v0  }
0x26: {  	[tilespmem:s1+$0x8C00] =	vst v0  }
0x27: {  	s1 =	sshra.s32 s3, $0x2  }
0x28: {  	p0 =	sne.s32 s0, $0x0  }
.Ltmp1:
0x29: {  	[tilespmem:s1+$0xC800] =	vst v1;
	(pc) =	sbr.rel @p0 .LBB2_6-.Ltmp1, $4  }
0x2a: {  	[tilespmem:s1+$0xB400] =	vst v0  }
0x2b: {  	[tilespmem:s1+$0xA000] =	vst v0  }
0x2c: {  	[tilespmem:s1+$0x7800] =	vst v0;
	s0 =	sshll.u32 s0, $0x4  }
0x2d: {  	[tilespmem:s1+$0x8C00] =	vst v0;
	v0 =	vlaneseq.u32;
	s1 =	sxor.u32 $0x1F0, s0  }
0x2e: {  	v1 =	vimm.f32 $0.0e+00;
	s2 =	simm.s32 $0x40;
	s3 =	simm.s32 $0x0  }
.LBB2_4:
0x2f: {  	p1 =	sne.s32 s2, $0x4FC0;
	[tilespmem:s3+$0xE200] =	vst v1;
	s4 =	smov.u32 s2;
	s2 =	sadd.s32 $0x40, s2  }
.Ltmp2:
0x30: {  	[tilespmem:s3+$0xF600] =	vst v1;
	(pc) =	sbr.rel @p1 .LBB2_4-.Ltmp2, $2  }
0x31: {  	_ =	sdelay $0x2  }
0x32: {  	s3 =	sshra.s32 s4, $0x2  }
0x33: {  	[tilespmem:s3+$0xE200] =	vst v1  }
0x34: {  	[tilespmem:s3+$0xF600] =	vst v1  }
.LBB2_6:
0x35: {  	s13 =	sand.u32 $0x80, s0  }
0x36: {  	s2 =	sand.u32 $0x70, s0;
	s19 =	sand.u32 $0x180, s1;
	s4 =	rddreg [dreg:$0x8]  }
0x37: {  	s3 =	sand.u32 $0x70, s1;
	s11 =	ssub.s32 $0x200, s0;
	s26 =	rddreg [dreg:$0x9]  }
0x38: {  	s14 =	sadd.s32 $0x10, s0;
	s15 =	simm.s32 $0x0;
	s16 =	simm.s32 $0x1400  }
0x39: {  	s17 =	simm.s32 $0x2800;
	s18 =	simm.s32 $0x3C00;
	s20 =	simm.s32 $0x7800  }
0x3a: {  	s21 =	simm.s32 $0x8C00;
	s22 =	simm.s32 $0xA000;
	s23 =	simm.s32 $0xB400  }
0x3b: {  	s24 =	simm.s32 $0xC800;
	s28 =	simm.s32 $0xE000;
	s29 =	simm.s32 $0x6400  }
0x3c: {  	s30 =	simm.s32 $0xDC00;
	s25 =	sadd.s32 s0, s4;
	[dreg:$0xd] =	wrdreg s13  }
.Ltmp3:
0x3d: {  	s4 =	sadd.s32 s1, s4;
	[dreg:$0xe] =	wrdreg s19;
	(pc) =	sbr.rel .LBB2_7-.Ltmp3, $4  }
0x3e: {  	s31 =	simm.s32 $0xDE00;
	s5 =	sadd.s32 s0, s26;
	[dreg:$0x10] =	wrdreg s4  }
0x3f: {  	v1 =	vor.u32 s0, v0;
	v2 =	vor.u32 s1, v0;
	s0 =	simm.s32 $0xE200;
	v5 =	vmov s3;
	s3 =	simm.s32 $0x0;
	[dreg:$0x11] =	wrdreg s5  }
0x40: {  	vm0 =	vmxor vm0, vm0;
	v4 =	vimm.s32 $0x0;
	v3 =	vmov s2;
	s2 =	simm.s32 $0x0;
	s4 =	sadd.s32 s1, s26;
	[dreg:$0xf] =	wrdreg s25  }
0x41: {  	v6 =	vimm.s32 $0x1;
	v7 =	vimm.f32 $0.0e+00;
	v8 =	vimm.f32 $1.000000000e+00;
	s26 =	simm.s32 $0x1;
	s1 =	simm.s32 $0x0;
	[dreg:$0x12] =	wrdreg s4  }
.LBB2_59:
0x42: {  	s2 =	rddreg [dreg:$0x13]  }
0x43: {  	s2 =	sadd.s32 $0x1, s2  }
0x44: {  	p1 =	sne.s32 s2, $0xA  }
.Ltmp4:
0x45: {  	_ = 	snop;
	(pc) =	sbr.rel @!p1 .LBB2_60-.Ltmp4, $2  }
0x46: {  	_ =	sdelay $0x2  }
0x47: {  	s1 =	sadd.s32 s1, s5;
	s3 =	sadd.s32 $0x200, s3  }
.LBB2_7:
0x48: {  	_ = 	snop  }
0x49: {  	s6 =	sshll.u32 s2, $0x9  }
0x4a: {  	s5 =	sadd.s32 $0x6400, s6  }
0x4b: {  	s7 =	sor.u32 s13, s5  }
0x4c: {  	v9 =	vld.idx.msk [tilespmem:v3+s7+$0x0 ss:$0x1], $0xffff;
	_ =	sdelay $0x2  }
0x4d: {  	s5 =	sor.u32 s19, s5  }
0x4e: {  	v13 =	vld.idx.msk [tilespmem:v5+s5+$0x0 ss:$0x1], $0xffff;
	_ =	sdelay $0x3  }
0x4f: {  	v16 =	vld.idx.msk [tilespmem:v9+s15+$0x0], $0xffff  }
0x50: {  	p1 =	slt.u32 s1, $0x7FFFFFFF;
	s5 =	sadd.s32 $0x1, s1;
	s7 =	simm.s32 $0x1;
	v15 =	vld.idx.msk [tilespmem:v9+s16+$0x0], $0xffff  }
0x51: {  	s7 =	simm.s32 @!p1 $0x0;
	s8 =	sshra.s32 s5, $0x1F;
	v18 =	vld.idx.msk [tilespmem:v9+s17+$0x0], $0xffff  }
0x52: {  	s4 =	sand.u32 $0x1, s5;
	s7 =	sadd.s32 s7, s8;
	v17 =	vld.idx.msk [tilespmem:v9+s18+$0x0], $0xffff  }
0x53: {  	p2 =	seq.s32 s4, $0x1;
	p6 =	sne.s32 s7, $0x1;
	v11 =	vld.idx.msk [tilespmem:v13+s15+$0x0], $0xffff  }
0x54: {  	s9 =	sshrl.u32 s5, $0x1F;
	p1 =	por !p6, !p2;
	v10 =	vld.idx.msk [tilespmem:v13+s16+$0x0], $0xffff  }
0x55: {  	s5 =	sadd.s32 s9, s5;
	s7 =	simm.s32 $0x1;
	p1 =	por !p1, !p1;
	v12 =	vld.idx.msk [tilespmem:v13+s17+$0x0], $0xffff  }
0x56: {  	s5 =	sshra.s32 s5, $0x1;
	s7 =	simm.s32 @!p1 $0x0;
	v13 =	vld.idx.msk [tilespmem:v13+s18+$0x0], $0xffff  }
0x57: {  	s5 =	ssub.s32 s5, s7  }
0x58: {  	p1 =	slt.s32 s5, $0x1  }
.Ltmp5:
0x59: {  	_ = 	snop;
	(pc) =	sbr.rel @p1 .LBB2_16-.Ltmp5, $4  }
0x5a: {  	v9 =	vsub.f32 v18, v16;
	v14 =	vsub.f32 v17, v15  }
0x5b: {  	v20 =	vsub.f32 v12, v11;
	v21 =	vsub.f32 v13, v10  }
0x5c: {  	vm2 =	vmmov vm0  }
0x5d: {  	vm1 =	vmmov vm0;
	v19 =	vmul.f32 v14, v9;
	v14 =	vmul.f32 v21, v20  }
0x5e: {  	p3 =	sne.s32 s5, $0x1  }
.Ltmp6:
0x5f: {  	_ = 	snop;
	(pc) =	sbr.rel @!p3 .LBB2_9-.Ltmp6, $4  }
0x60: {  	s7 =	simm.s32 $0x0  }
0x61: {  	v9 =	vmov s7  }
0x62: {  	v20 =	vand.u32 $0xFFFFFFFE, v9  }
0x63: {  	s5 =	sadd.s32 $0xFFFFFFFF, s5;
	p1 =	por $0x0, $0x0;
	p2 =	por $0x0, $0x0;
	v9 =	vmov s26;
	v20 =	vbroadcast v20, $0x0  }
0x64: {  	_ =	sdelay $0x3  }
0x65: {  	v24 =	vld.idx.msk [tilespmem:v9+s20+$0x0], $0xffff  }
0x66: {  	v25 =	vld.idx.msk [tilespmem:v9+s21+$0x0], $0xffff  }
0x67: {  	v28 =	vld.idx.msk [tilespmem:v9+s22+$0x0], $0xffff  }
0x68: {  	v29 =	vld.idx.msk [tilespmem:v9+s23+$0x0], $0xffff  }
0x69: {  	v21 =	vld.idx.msk [tilespmem:v9+s24+$0x0], $0xffff  }
0x6a: {  	v30 =	vld.idx.msk [tilespmem:v20+s20+$0x0], $0xffff  }
0x6b: {  	s7 =	simm.s32 $0x3;
	s9 =	simm.s32 $0x2;
	v36 =	vld.idx.msk [tilespmem:v20+s22+$0x0], $0xffff  }
0x6c: {  	v22 =	vld.idx.msk [tilespmem:v20+s21+$0x0], $0xffff;
	v9 =	vmov s7;
	v33 =	vmov s9  }
0x6d: {  	v37 =	vld.idx.msk [tilespmem:v20+s23+$0x0], $0xffff;
	v26 =	vmax.f32 v16, v24;
	v27 =	vmin.f32 v18, v28;
	v23 =	vmax.f32 v15, v25  }
0x6e: {  	v28 =	vmin.f32 v12, v28;
	v24 =	vmax.f32 v11, v24;
	v32 =	vmin.f32 v13, v29  }
0x6f: {  	v25 =	vmax.f32 v10, v25;
	v34 =	vadd.f32 v21, v14;
	v27 =	vsub.f32 v27, v26  }
0x70: {  	v26 =	vmin.f32 v17, v29;
	v31 =	vmax.f32 v16, v30;
	v29 =	vld.idx.msk [tilespmem:v20+s24+$0x0], $0xffff;
	v20 =	vmin.f32 v12, v36  }
0x71: {  	p3 =	sne.s32 s5, $0x1;
	v24 =	vsub.f32 v28, v24;
	v25 =	vsub.f32 v32, v25;
	v28 =	vmax.f32 v11, v30  }
.Ltmp7:
0x72: {  	v30 =	vmin.f32 v13, v37;
	v63 =	vmax.f32 v10, v22;
	v36 =	vmin.f32 v18, v36;
	(pc) =	sbr.rel @!p3 .LBB2_11-.Ltmp7, $4  }
0x73: {  	v37 =	vmin.f32 v17, v37;
	v20 =	vsub.f32 v20, v28;
	v28 =	vsub.f32 v30, v63  }
0x74: {  	v30 =	vand.u32 $0xFFFFFFFE, v33;
	v24 =	vmax.f32 v24, $0.0e+00;
	v25 =	vmax.f32 v25, $0.0e+00  }
0x75: {  	v20 =	vmax.f32 v20, $0.0e+00;
	v28 =	vmax.f32 v28, $0.0e+00;
	v33 =	vmul.f32 v25, v24  }
0x76: {  	s5 =	sadd.s32 $0xFFFFFFFF, s5;
	p1 =	por $0x1, $0x1;
	v32 =	vmul.f32 v28, v20;
	v20 =	vbroadcast v30, $0x0;
	v35 =	vadd.f32 v29, v14  }
0x77: {  	_ =	sdelay $0x3  }
0x78: {  	v22 =	vmax.f32 v15, v22;
	v25 =	vsub.f32 v34, v33;
	v52 =	vld.idx.msk [tilespmem:v9+s20+$0x0], $0xffff;
	v28 =	vsub.f32 v36, v31  }
0x79: {  	v27 =	vmax.f32 v27, $0.0e+00;
	v53 =	vld.idx.msk [tilespmem:v9+s21+$0x0], $0xffff;
	v23 =	vsub.f32 v26, v23;
	v21 =	vadd.f32 v21, v19;
	s8 =	simm.s32 $0x4  }
0x7a: {  	v54 =	vld.idx.msk [tilespmem:v9+s22+$0x0], $0xffff;
	v24 =	vsub.f32 v35, v32;
	v22 =	vsub.f32 v37, v22;
	v39 =	vmov s8  }
0x7b: {  	v25 =	vmul.f32 $5.000000000e-01, v25;
	v26 =	vmax.f32 v28, $0.0e+00;
	v28 =	vadd.f32 v29, v19  }
0x7c: {  	v55 =	vld.idx.msk [tilespmem:v20+s20+$0x0], $0xffff;
	v23 =	vmax.f32 v23, $0.0e+00;
	v62 =	vand.u32 $0xFFFFFFFE, v39;
	v24 =	vmul.f32 $5.000000000e-01, v24  }
0x7d: {  	v56 =	vld.idx.msk [tilespmem:v20+s22+$0x0], $0xffff;
	v22 =	vmax.f32 v22, $0.0e+00;
	vm2 =	vgt.f32 v33, v25;
	v25 =	vmul.f32 v23, v27  }
0x7e: {  	v38 =	vld.idx.msk [tilespmem:v20+s23+$0x0], $0xffff;
	vm1 =	vgt.f32 v32, v24;
	v24 =	vmul.f32 v22, v26;
	v27 =	vmax.f32 v16, v52  }
0x7f: {  	v29 =	vld.idx.msk [tilespmem:v9+s23+$0x0], $0xffff;
	v23 =	vmax.f32 v15, v53;
	v31 =	vmin.f32 v18, v54;
	v57 =	vmin.f32 v12, v54  }
0x80: {  	s7 =	simm.s32 $0x5;
	v22 =	vld.idx.msk [tilespmem:v20+s21+$0x0], $0xffff;
	v34 =	vmax.f32 v11, v52;
	v35 =	vmax.f32 v10, v53;
	vm1 =	vmor vm1, vm2  }
0x81: {  	v30 =	vsub.f32 v21, v25;
	v21 =	vld.idx.msk [tilespmem:v9+s24+$0x0], $0xffff;
	v27 =	vsub.f32 v31, v27;
	v9 =	vmov s7  }
0x82: {  	v31 =	vmax.f32 v16, v55;
	v33 =	vsub.f32 v57, v34;
	v26 =	vsub.f32 v28, v24  }
0x83: {  	v32 =	vmax.f32 v11, v55;
	v59 =	vmin.f32 v13, v38;
	v36 =	vmin.f32 v18, v56  }
0x84: {  	v58 =	vmin.f32 v13, v29;
	v28 =	vmul.f32 $5.000000000e-01, v26;
	v26 =	vmin.f32 v17, v29;
	v29 =	vld.idx.msk [tilespmem:v20+s24+$0x0], $0xffff  }
0x85: {  	p3 =	sne.s32 s5, $0x1;
	v35 =	vsub.f32 v58, v35;
	v20 =	vmin.f32 v12, v56;
	v60 =	vmax.f32 v10, v22  }
.Ltmp8:
0x86: {  	v37 =	vmin.f32 v17, v38;
	v20 =	vsub.f32 v20, v32;
	v61 =	vsub.f32 v59, v60;
	(pc) =	sbr.rel @!p3 .LBB2_13-.Ltmp8, $4  }
0x87: {  	vm2 =	vmmov vm0;
	v33 =	vmax.f32 v33, $0.0e+00;
	v63 =	vmax.f32 v35, $0.0e+00  }
0x88: {  	v34 =	vadd.f32 v21, v14;
	v20 =	vmax.f32 v20, $0.0e+00;
	v32 =	vmax.f32 v61, $0.0e+00  }
0x89: {  	v33 =	vmul.f32 v63, v33;
	v32 =	vmul.f32 v32, v20;
	v35 =	vadd.f32 v29, v14  }
0x8a: {  	p2 =	por $0x1, $0x1;
	s8 =	sadd.s32 $0xFFFFFFFF, s5;
	vm1 =	vmor vm0, vm1;
	v30 =	vmul.f32 $5.000000000e-01, v30;
	v20 =	vbroadcast v62, $0x0  }
.LBB2_14:
0x8b: {  	p3 =	sne.s32 s8, $0x1;
	v22 =	vmax.f32 v15, v22;
	v35 =	vsub.f32 v35, v32;
	v34 =	vsub.f32 v34, v33  }
0x8c: {  	v31 =	vsub.f32 v36, v31;
	v27 =	vmax.f32 v27, $0.0e+00;
	v38 =	vld.idx.msk [tilespmem:v9+s20+$0x0], $0xffff;
	v22 =	vsub.f32 v37, v22  }
0x8d: {  	v23 =	vsub.f32 v26, v23;
	v36 =	vld.idx.msk [tilespmem:v9+s21+$0x0], $0xffff;
	v35 =	vmul.f32 $5.000000000e-01, v35;
	v26 =	vmul.f32 $5.000000000e-01, v34  }
0x8e: {  	v29 =	vadd.f32 v29, v19;
	v31 =	vmax.f32 v31, $0.0e+00;
	v34 =	vld.idx.msk [tilespmem:v9+s22+$0x0], $0xffff;
	v22 =	vmax.f32 v22, $0.0e+00  }
0x8f: {  	v23 =	vmax.f32 v23, $0.0e+00;
	v37 =	vld.idx.msk [tilespmem:v9+s23+$0x0], $0xffff;
	vm3 =	vgt.f32 v32, v35;
	vm4 =	vgt.f32 v33, v26  }
0x90: {  	v27 =	vmul.f32 v23, v27;
	v26 =	vmul.f32 v22, v31;
	v32 =	vld.idx.msk [tilespmem:v20+s20+$0x0], $0xffff;
	vm3 =	vmor vm3, vm4  }
0x91: {  	v21 =	vadd.f32 v21, v19;
	v22 =	vld.idx.msk [tilespmem:v20+s21+$0x0], $0xffff;
	vm1 =	vmor vm1, vm3;
	vm3 =	vgt.f32 v24, v28  }
0x92: {  	vm4 =	vgt.f32 v25, v30;
	v31 =	vmax.f32 v16, v38;
	v28 =	vsub.f32 v29, v26;
	v39 =	vld.idx.msk [tilespmem:v20+s22+$0x0], $0xffff  }
0x93: {  	v29 =	vsub.f32 v21, v27;
	v24 =	vmovc v26;
	v23 =	vmax.f32 v15, v36;
	vm3 =	vmor vm3, vm4;
	v40 =	vld.idx.msk [tilespmem:v20+s23+$0x0], $0xffff  }
0x94: {  	v25 =	vmovc v27;
	v26 =	vmin.f32 v18, v34;
	v28 =	vmul.f32 $5.000000000e-01, v28;
	vm2 =	vmor vm2, vm3  }
0x95: {  	s7 =	sadd.s32 $0x2, s7;
	v30 =	vmul.f32 $5.000000000e-01, v29;
	v27 =	vsub.f32 v26, v31;
	v26 =	vmin.f32 v17, v37;
	v21 =	vld.idx.msk [tilespmem:v9+s24+$0x0], $0xffff  }
0x96: {  	v33 =	vmin.f32 v12, v34;
	v9 =	vmov s7;
	v31 =	vmax.f32 v16, v32  }
0x97: {  	v35 =	vmax.f32 v10, v36;
	v34 =	vmin.f32 v13, v37;
	v29 =	vld.idx.msk [tilespmem:v20+s24+$0x0], $0xffff;
	v20 =	vmax.f32 v11, v38  }
0x98: {  	v36 =	vmin.f32 v12, v39;
	v20 =	vsub.f32 v33, v20;
	v33 =	vsub.f32 v34, v35  }
0x99: {  	s5 =	sadd.s32 $0xFFFFFFFF, s7;
	v32 =	vmax.f32 v11, v32;
	v34 =	vmin.f32 v13, v40;
	v35 =	vmax.f32 v10, v22  }
.Ltmp9:
0x9a: {  	v37 =	vmov s5;
	v32 =	vsub.f32 v36, v32;
	v35 =	vsub.f32 v34, v35;
	(pc) =	sbr.rel @p3 .LBB2_14-.Ltmp9, $4  }
0x9b: {  	v36 =	vand.u32 $0xFFFFFFFE, v37;
	v20 =	vmax.f32 v20, $0.0e+00;
	v34 =	vadd.f32 v21, v14  }
0x9c: {  	v32 =	vmax.f32 v32, $0.0e+00;
	v33 =	vmax.f32 v33, $0.0e+00;
	v35 =	vmax.f32 v35, $0.0e+00  }
0x9d: {  	v33 =	vmul.f32 v33, v20;
	v32 =	vmul.f32 v35, v32;
	v35 =	vadd.f32 v29, v14  }
0x9e: {  	s8 =	sadd.s32 $0xFFFFFFFF, s8;
	v37 =	vmin.f32 v17, v40;
	v20 =	vbroadcast v36, $0x0;
	v36 =	vmin.f32 v18, v39  }
.LBB2_15:
0x9f: {  	_ =	sdelay $0x2  }
0xa0: {  	v35 =	vsub.f32 @p1 v35, v32  }
0xa1: {  	v34 =	vsub.f32 @p1 v34, v33;
	v38 =	vld.idx.msk [tilespmem:v9+s20+$0x0], $0xffff;
	v31 =	vsub.f32 @p1 v36, v31  }
0xa2: {  	v22 =	vmax.f32 @p1 v15, v22;
	v62 =	vld.idx.msk [tilespmem:v9+s21+$0x0], $0xffff;
	v23 =	vsub.f32 @p1 v26, v23;
	v29 =	vadd.f32 @p1 v29, v19  }
0xa3: {  	v27 =	vmax.f32 @p1 v27, $0.0e+00;
	v63 =	vld.idx.msk [tilespmem:v9+s22+$0x0], $0xffff;
	v21 =	vadd.f32 @p1 v21, v19;
	v22 =	vsub.f32 @p1 v37, v22  }
0xa4: {  	v40 =	vld.idx.msk [tilespmem:v9+s23+$0x0], $0xffff;
	v35 =	vmul.f32 @p1 $5.000000000e-01, v35;
	v26 =	vmul.f32 @p1 $5.000000000e-01, v34;
	v23 =	vmax.f32 @p1 v23, $0.0e+00  }
0xa5: {  	v9 =	vld.idx.msk [tilespmem:v9+s24+$0x0], $0xffff;
	v31 =	vmax.f32 @p1 v31, $0.0e+00;
	v22 =	vmax.f32 @p1 v22, $0.0e+00;
	v23 =	vmul.f32 @p1 v23, v27  }
0xa6: {  	v41 =	vld.idx.msk [tilespmem:v20+s20+$0x0], $0xffff;
	vm3 =	vgt.f32 @p1 v32, v35;
	vm4 =	vgt.f32 @p1 v33, v26;
	v22 =	vmul.f32 @p1 v22, v31  }
0xa7: {  	v42 =	vld.idx.msk [tilespmem:v20+s21+$0x0], $0xffff;
	vm3 =	vmor @p1 vm3, vm4;
	v44 =	vmax.f32 v16, v38;
	vm4 =	vgt.f32 @p2 v25, v30  }
0xa8: {  	v43 =	vld.idx.msk [tilespmem:v20+s22+$0x0], $0xffff;
	v46 =	vmax.f32 v15, v62;
	v21 =	vsub.f32 @p1 v21, v23;
	v47 =	vmin.f32 v18, v63  }
0xa9: {  	v45 =	vld.idx.msk [tilespmem:v20+s23+$0x0], $0xffff;
	v48 =	vmin.f32 v17, v40;
	v49 =	vmin.f32 v12, v63;
	v50 =	vmax.f32 v11, v38  }
0xaa: {  	v20 =	vld.idx.msk [tilespmem:v20+s24+$0x0], $0xffff;
	v51 =	vmin.f32 v13, v40;
	v52 =	vmax.f32 v10, v62;
	v58 =	vadd.f32 v9, v14  }
0xab: {  	v23 =	vpsel p1, v23, v0;
	v9 =	vadd.f32 v9, v19;
	vm3 =	vmor @p1 vm1, vm3  }
0xac: {  	vm1 =	vgt.f32 @p2 v24, v28;
	v29 =	vsub.f32 @p1 v29, v22;
	v28 =	vsub.f32 v47, v44  }
0xad: {  	v53 =	vmin.f32 v12, v43;
	v32 =	vsub.f32 v49, v50;
	v54 =	vsub.f32 v51, v52  }
0xae: {  	v55 =	vmax.f32 v11, v41;
	v56 =	vmin.f32 v13, v45;
	v57 =	vmax.f32 v10, v42  }
0xaf: {  	v26 =	vmax.f32 v16, v41;
	v59 =	vadd.f32 v20, v14;
	v24 =	vmin.f32 v18, v43  }
0xb0: {  	v25 =	vmin.f32 v17, v45;
	v22 =	vpsel p1, v22, v0;
	v27 =	vmax.f32 v15, v42  }
0xb1: {  	v60 =	vsub.f32 v48, v46;
	v20 =	vadd.f32 v20, v19;
	vm1 =	vmor @p2 vm1, vm4  }
0xb2: {  	v21 =	vmul.f32 @p1 $5.000000000e-01, v21;
	v34 =	vsub.f32 v53, v55;
	v35 =	vsub.f32 v56, v57  }
0xb3: {  	v24 =	vsub.f32 v24, v26;
	v25 =	vsub.f32 v25, v27;
	v29 =	vmul.f32 @p1 $5.000000000e-01, v29  }
0xb4: {  	vm1 =	vmor @p2 vm2, vm1;
	v32 =	vmax.f32 v32, $0.0e+00;
	v33 =	vmax.f32 v54, $0.0e+00  }
0xb5: {  	vm2 =	vmmov vm0;
	v28 =	vmax.f32 v28, $0.0e+00;
	v27 =	vmax.f32 v60, $0.0e+00  }
0xb6: {  	v34 =	vmax.f32 v34, $0.0e+00;
	v35 =	vmax.f32 v35, $0.0e+00;
	v32 =	vmul.f32 v33, v32  }
0xb7: {  	vm2 =	vmmov @p1 vm3;
	v24 =	vmax.f32 v24, $0.0e+00;
	v25 =	vmax.f32 v25, $0.0e+00  }
0xb8: {  	v61 =	vmul.f32 v27, v28;
	v21 =	vpsel p1, v21, v0;
	vm3 =	vmmov vm0  }
0xb9: {  	v34 =	vmul.f32 v35, v34;
	v26 =	vpsel p1, v29, v0;
	v24 =	vmul.f32 v25, v24  }
0xba: {  	vm3 =	vmmov @p2 vm1;
	v63 =	vsub.f32 v58, v32;
	v9 =	vsub.f32 v9, v61  }
0xbb: {  	vm4 =	vgt.f32 @p1 v23, v21;
	v62 =	vsub.f32 v59, v34;
	v20 =	vsub.f32 v20, v24  }
0xbc: {  	vm1 =	vgt.f32 @p1 v22, v26;
	v28 =	vmul.f32 $5.000000000e-01, v63;
	v9 =	vmul.f32 $5.000000000e-01, v9  }
0xbd: {  	vm1 =	vmor @p1 vm1, vm4;
	v27 =	vmul.f32 $5.000000000e-01, v62;
	v20 =	vmul.f32 $5.000000000e-01, v20  }
0xbe: {  	vm1 =	vmor @p1 vm3, vm1;
	vm3 =	vmmov vm0;
	vm6 =	vgt.f32 v32, v28  }
0xbf: {  	vm7 =	vgt.f32 v61, v9;
	vm5 =	vgt.f32 v34, v27;
	vm15 =	vgt.f32 v24, v20  }
0xc0: {  	vm3 =	vmmov @p1 vm1;
	vm5 =	vmor vm5, vm6;
	vm4 =	vmor vm15, vm7  }
0xc1: {  	vm1 =	vmor vm2, vm5;
	vm2 =	vmor vm3, vm4  }
.LBB2_16:
0xc2: {  	vm3 =	vmneg vm2  }
0xc3: {  	v9 =	vsel vm3, $0x1, v4;
	vm3 =	vmneg vm1  }
0xc4: {  	[tilespmem:$0x10A00] =	vst v9;
	v9 =	vsel vm3, $0x1, v4  }
0xc5: {  	[dreg:$0x13] =	wrdreg s2;
	s7 =	simm.s32 $0x10A00;
	[tilespmem:$0x10A10] =	vst v9  }
0xc6: {  	[spmem:s25] =	stream.linear.scatter [tilespmem:s7], [sflag:$0x1], $0x10, $0x38;
	[tilespmem:$0x10B68] =	vst v63  }
0xc7: {  	_ =	swait.ge [sflag:s26], $0x10  }
0xc8: {  	[sflag:s26] =	ssyncset.done $0x0  }
0xc9: {  	s4 =	simm.s32 $0x10A10;
	s8 =	rddreg [dreg:$0x10];
	[sflag:s26] =	ssyncadd.s32 $0xFFFFFFF0  }
0xca: {  	[spmem:s8] =	stream.linear.scatter [tilespmem:s4], [sflag:$0x1], $0x10, $0x38;
	[tilespmem:$0x10B68] =	vst v63  }
0xcb: {  	_ =	swait.ge [sflag:s26], $0x10  }
0xcc: {  	[sflag:s26] =	ssyncset.done $0x0  }
0xcd: {  	[sflag:s26] =	ssyncadd.s32 $0xFFFFFFF0  }
0xce: {  	[bflag:$0x0] =	sbarrier.arrive $0xFFFF  }
0xcf: {  	p3 =	sne.s32 s14, $0x1;
	s9 =	rddreg [dreg:$0x8]  }
0xd0: {  	v9 =	vmov s6;
	[tilespmem:s28], [sflag:$0x1] =	stream.linear.gather [spmem:s9], $0x200, $0x38;
	[tilespmem:$0x10B68] =	vst v63  }
.Ltmp10:
0xd1: {  	_ = 	snop;
	(pc) =	sbr.rel @!p3 .LBB2_17-.Ltmp10, $4  }
0xd2: {  	_ =	swait.ge [sflag:s26], $0x200  }
0xd3: {  	[sflag:s26] =	ssyncset.done $0x0  }
0xd4: {  	s6 =	simm.s32 $0x0;
	v25 =	vadd.s32 $0x1, v9;
	[sflag:s26] =	ssyncadd.s32 $0xFFFFFE00  }
0xd5: {  	p2 =	por $0x0, $0x0;
	p1 =	por $0x0, $0x0;
	v20 =	vadd.s32 s6, v25;
	s26 =	simm.s32 $0x1;
	v24 =	vld.idx.msk [tilespmem:v9+s29+$0x0], $0xffff  }
0xd6: {  	_ =	sdelay $0x5  }
0xd7: {  	p3 =	sne.s32 s14, $0x2  }
.Ltmp11:
0xd8: {  	v29 =	vld.idx.msk [tilespmem:v20+s29+$0x0], $0xffff;
	(pc) =	sbr.rel @!p3 .LBB2_19-.Ltmp11, $4  }
0xd9: {  	v30 =	vld.idx.msk [tilespmem:v24+s6+$0x0], $0xffff  }
0xda: {  	v27 =	vld.idx.msk [tilespmem:v24+s16+$0x0], $0xffff  }
0xdb: {  	v22 =	vld.idx.msk [tilespmem:v24+s17+$0x0], $0xffff  }
0xdc: {  	v21 =	vadd.s32 s26, v25;
	v20 =	vmov s6;
	s7 =	simm.s32 $0x2;
	p2 =	por $0x1, $0x1;
	v24 =	vld.idx.msk [tilespmem:v24+s18+$0x0], $0xffff  }
0xdd: {  	_ =	sdelay $0x3  }
0xde: {  	v28 =	vld.idx.msk [tilespmem:v21+s29+$0x0], $0xffff;
	v21 =	vmax.f32 v16, v30  }
0xdf: {  	v31 =	vsub.f32 v24, v27;
	v24 =	vmin.f32 v17, v24;
	v27 =	vmax.f32 v15, v27  }
0xe0: {  	p4 =	sne.s32 s14, $0x3;
	v23 =	vsub.f32 v22, v30;
	v22 =	vmin.f32 v18, v22;
	v24 =	vsub.f32 v24, v27  }
.Ltmp12:
0xe1: {  	v26 =	vld.idx.msk [tilespmem:v20+s28+$0x0], $0xffff;
	v30 =	vsub.f32 v22, v21;
	v21 =	vmov s26;
	(pc) =	sbr.rel @!p4 .LBB2_21-.Ltmp12, $4  }
0xe2: {  	v33 =	vld.idx.msk [tilespmem:v29+s6+$0x0], $0xffff;
	v32 =	vmax.f32 v24, $0.0e+00  }
0xe3: {  	v22 =	vld.idx.msk [tilespmem:v29+s17+$0x0], $0xffff;
	v31 =	vmul.f32 v31, v23  }
0xe4: {  	vm3 =	vmmov vm0;
	v27 =	vld.idx.msk [tilespmem:v29+s16+$0x0], $0xffff;
	v23 =	vmax.f32 v30, $0.0e+00  }
0xe5: {  	s5 =	simm.s32 $0x3;
	p3 =	por $0x1, $0x1;
	v30 =	vadd.s32 s7, v25;
	v24 =	vld.idx.msk [tilespmem:v29+s18+$0x0], $0xffff;
	v23 =	vmul.f32 v32, v23;
	v31 =	vadd.f32 v31, v19;
	v32 =	vmovc v21  }
.LBB2_22:
0xe6: {  	v29 =	vld.idx.msk [tilespmem:v21+s28+$0x0], $0xffff;
	v21 =	vmov v30;
	_ =	sdelay $0x3  }
0xe7: {  	v31 =	vsub.f32 v31, v23;
	v30 =	vadd.s32 s5, v25  }
0xe8: {  	v35 =	vsub.f32 v22, v33;
	vm4 =	vne.s32 v26, $0x0;
	v34 =	vld.idx.msk [tilespmem:v21+s29+$0x0], $0xffff;
	v21 =	vmov s7;
	s7 =	smov.u32 s5  }
0xe9: {  	v37 =	vmin.f32 v18, v22;
	v26 =	vsub.f32 v24, v27;
	v31 =	vmul.f32 $5.000000000e-01, v31;
	s5 =	sadd.s32 $0x1, s5;
	v36 =	vld.idx.msk [tilespmem:v28+s6+$0x0], $0xffff  }
0xea: {  	v33 =	vmax.f32 v16, v33;
	v38 =	vmax.f32 v15, v27;
	v24 =	vmin.f32 v17, v24;
	p4 =	sne.s32 s14, s5;
	v27 =	vld.idx.msk [tilespmem:v28+s16+$0x0], $0xffff  }
.Ltmp13:
0xeb: {  	v33 =	vsub.f32 v37, v33;
	v37 =	vsub.f32 v24, v38;
	vm5 =	vgt.f32 v23, v31;
	v22 =	vld.idx.msk [tilespmem:v28+s17+$0x0], $0xffff;
	(pc) =	sbr.rel @p4 .LBB2_22-.Ltmp13, $4  }
0xec: {  	v31 =	vmul.f32 v26, v35;
	vm4 =	vmand vm4, vm5;
	vm5 =	vlt.u32 v20, v1;
	v20 =	vmovc v32;
	v24 =	vld.idx.msk [tilespmem:v28+s18+$0x0], $0xffff  }
0xed: {  	v23 =	vmax.f32 v33, $0.0e+00;
	v35 =	vmax.f32 v37, $0.0e+00;
	v26 =	vmovc v29;
	vm4 =	vmand vm5, vm4;
	v28 =	vmovc v34  }
0xee: {  	v23 =	vmul.f32 v35, v23;
	v31 =	vadd.f32 v31, v19;
	v32 =	vmovc v21;
	vm3 =	vmor vm3, vm4  }
0xef: {  	v33 =	vmov v36  }
0xf0: {  	v25 =	vmovc v20;
	v30 =	vmov v33;
	v29 =	vmov v28;
	v20 =	vmov v32  }
.LBB2_24:
0xf1: {  	_ =	sdelay $0x3  }
0xf2: {  	v28 =	vld.idx.msk [tilespmem:v29+s6+$0x0], $0xffff  }
0xf3: {  	v32 =	vld.idx.msk [tilespmem:v29+s16+$0x0], $0xffff;
	v31 =	vsub.f32 @p3 v31, v23  }
0xf4: {  	v33 =	vld.idx.msk [tilespmem:v29+s17+$0x0], $0xffff;
	v34 =	vsub.f32 @p2 v22, v30;
	v35 =	vsub.f32 @p2 v24, v27;
	v22 =	vmin.f32 @p2 v18, v22  }
0xf5: {  	v54 =	vld.idx.msk [tilespmem:v29+s18+$0x0], $0xffff;
	v30 =	vmax.f32 @p2 v16, v30;
	v24 =	vmin.f32 @p2 v17, v24;
	v27 =	vmax.f32 @p2 v15, v27  }
0xf6: {  	v22 =	vsub.f32 @p2 v22, v30;
	v24 =	vsub.f32 @p2 v24, v27  }
0xf7: {  	vm4 =	vne.s32 @p3 v26, $0x0;
	v27 =	vmul.f32 @p2 v35, v34;
	v26 =	vmul.f32 @p3 $5.000000000e-01, v31  }
0xf8: {  	v55 =	vmov s7;
	v22 =	vmax.f32 @p2 v22, $0.0e+00;
	v24 =	vmax.f32 @p2 v24, $0.0e+00  }
0xf9: {  	v27 =	vadd.f32 @p2 v27, v19;
	v22 =	vmul.f32 @p2 v24, v22;
	vm5 =	vgt.f32 @p3 v23, v26  }
0xfa: {  	v56 =	vsub.f32 v33, v28;
	v57 =	vsub.f32 v54, v32;
	v58 =	vmin.f32 v18, v33  }
0xfb: {  	v21 =	vld.idx.msk @p2 [tilespmem:v21+s28+$0x0], $0xffff;
	v59 =	vmax.f32 v16, v28;
	v60 =	vmin.f32 v17, v54;
	v15 =	vmax.f32 v15, v32  }
0xfc: {  	vm4 =	vmand @p3 vm4, vm5;
	vm5 =	vlt.u32 @p3 v25, v1;
	v16 =	vsub.f32 v58, v59  }
0xfd: {  	v15 =	vsub.f32 v60, v15;
	v17 =	vpsel p2, v27, v0;
	v22 =	vpsel p2, v22, v0  }
0xfe: {  	vm4 =	vmand @p3 vm5, vm4;
	v61 =	vmul.f32 v57, v56;
	v17 =	vsub.f32 @p2 v17, v22  }
0xff: {  	vm3 =	vmor @p3 vm3, vm4;
	v16 =	vmax.f32 v16, $0.0e+00  }
0x100: {  	v15 =	vmax.f32 v15, $0.0e+00;
	v62 =	vadd.f32 v61, v19;
	v19 =	vmovc @p2 v20;
	v20 =	vmovc @p2 v21;
	v17 =	vmul.f32 @p2 $5.000000000e-01, v17  }
0x101: {  	vm4 =	vmmov vm0;
	v15 =	vmul.f32 v15, v16;
	v20 =	vpsel p2, v20, v0  }
0x102: {  	v19 =	vpsel p2, v19, v0;
	vm5 =	vne.s32 @p2 v20, $0x0;
	vm6 =	vgt.f32 @p2 v22, v17  }
0x103: {  	v63 =	vld.idx.msk [tilespmem:v55+s28+$0x0], $0xffff;
	vm4 =	vmmov @p3 vm3;
	vm3 =	vmand @p2 vm5, vm6;
	vm5 =	vlt.u32 @p2 v19, v1  }
0x104: {  	v16 =	vsub.f32 v62, v15;
	vm3 =	vmand @p2 vm5, vm3  }
0x105: {  	vm3 =	vmor @p2 vm4, vm3;
	vm4 =	vmmov vm0  }
0x106: {  	v16 =	vmul.f32 $5.000000000e-01, v16;
	vm4 =	vmmov @p2 vm3;
	p2 =	sne.s32 s11, $0x1  }
.Ltmp14:
0x107: {  	_ = 	snop;
	(pc) =	sbr.rel @!p2 .LBB2_25-.Ltmp14, $4  }
0x108: {  	vm5 =	vne.s32 v63, $0x0;
	vm14 =	vgt.f32 v15, v16  }
0x109: {  	vm15 =	vlt.u32 v55, v1;
	vm5 =	vmand vm5, vm14  }
0x10a: {  	vm3 =	vmand vm15, vm5  }
0x10b: {  	v24 =	vadd.s32 s6, v9;
	vm3 =	vmor vm4, vm3  }
0x10c: {  	p3 =	sne.s32 s11, $0x2  }
.Ltmp15:
0x10d: {  	_ = 	snop;
	(pc) =	sbr.rel @!p3 .LBB2_27-.Ltmp15, $2  }
0x10e: {  	_ =	sdelay $0x2  }
0x10f: {  	v18 =	vld.idx.msk [tilespmem:v24+s29+$0x0], $0xffff;
	s7 =	simm.s32 $0x2;
	v24 =	vadd.s32 s26, v9;
	p2 =	por $0x1, $0x1  }
0x110: {  	_ =	sdelay $0x7  }
0x111: {  	p4 =	sne.s32 s11, $0x3;
	v16 =	vld.idx.msk [tilespmem:v18+s17+$0x0], $0xffff  }
.Ltmp16:
0x112: {  	_ = 	snop;
	(pc) =	sbr.rel @!p4 .LBB2_29-.Ltmp16, $4  }
0x113: {  	v21 =	vld.idx.msk [tilespmem:v24+s29+$0x0], $0xffff  }
0x114: {  	v17 =	vld.idx.msk [tilespmem:v18+s18+$0x0], $0xffff  }
0x115: {  	v19 =	vld.idx.msk [tilespmem:v18+s15+$0x0], $0xffff  }
0x116: {  	s8 =	simm.s32 $0x3;
	v24 =	vadd.s32 s7, v9;
	v15 =	vmov s6;
	p3 =	por $0x1, $0x1;
	v20 =	vld.idx.msk [tilespmem:v18+s16+$0x0], $0xffff;
	v22 =	vmin.f32 v12, v16  }
0x117: {  	_ =	sdelay $0x3  }
0x118: {  	v25 =	vsub.f32 v16, v19;
	v18 =	vmax.f32 v11, v19;
	v27 =	vsub.f32 v17, v20  }
0x119: {  	v23 =	vld.idx.msk [tilespmem:v21+s17+$0x0], $0xffff;
	v26 =	vmin.f32 v13, v17;
	v28 =	vmax.f32 v10, v20;
	v29 =	vsub.f32 v22, v18  }
0x11a: {  	v18 =	vld.idx.msk [tilespmem:v24+s29+$0x0], $0xffff;
	v26 =	vsub.f32 v26, v28;
	v24 =	vmul.f32 v27, v25  }
0x11b: {  	p4 =	sne.s32 s11, $0x4;
	v25 =	vld.idx.msk [tilespmem:v21+s18+$0x0], $0xffff;
	v28 =	vmax.f32 v29, $0.0e+00  }
.Ltmp17:
0x11c: {  	v27 =	vmax.f32 v26, $0.0e+00;
	v26 =	vld.idx.msk [tilespmem:v21+s15+$0x0], $0xffff;
	v30 =	vadd.f32 v24, v14;
	v24 =	vadd.s32 s8, v9;
	(pc) =	sbr.rel @!p4 .LBB2_31-.Ltmp17, $4  }
0x11d: {  	v28 =	vmul.f32 v27, v28;
	v27 =	vld.idx.msk [tilespmem:v21+s16+$0x0], $0xffff  }
0x11e: {  	v29 =	vld.idx.msk [tilespmem:v15+s28+$0x0], $0xffff  }
0x11f: {  	vm4 =	vmmov vm0  }
0x120: {  	s5 =	simm.s32 $0x4;
	p1 =	por $0x1, $0x1;
	v31 =	vmin.f32 v12, v23;
	v21 =	vmov s26;
	v32 =	vsub.f32 v30, v28;
	v30 =	vmovc v15  }
.LBB2_32:
0x121: {  	v33 =	vld.idx.msk [tilespmem:v24+s29+$0x0], $0xffff;
	v24 =	vsub.f32 v23, v26;
	v26 =	vmax.f32 v11, v26;
	v34 =	vmin.f32 v13, v25;
	s6 =	smov.u32 s5;
	s5 =	sadd.s32 $0x1, s5  }
0x122: {  	v35 =	vsub.f32 v25, v27;
	v27 =	vmax.f32 v10, v27;
	p4 =	sne.s32 s11, s5;
	v23 =	vld.idx.msk [tilespmem:v18+s17+$0x0], $0xffff;
	v32 =	vmul.f32 $5.000000000e-01, v32  }
0x123: {  	v31 =	vsub.f32 v31, v26;
	v34 =	vsub.f32 v34, v27;
	vm5 =	vne.s32 v29, $0x0;
	v25 =	vld.idx.msk [tilespmem:v18+s18+$0x0], $0xffff  }
0x124: {  	vm7 =	vlt.u32 v30, v2;
	v35 =	vmul.f32 v35, v24;
	v26 =	vld.idx.msk [tilespmem:v18+s15+$0x0], $0xffff;
	vm6 =	vgt.f32 v28, v32  }
.Ltmp18:
0x125: {  	v30 =	vmovc v21;
	v24 =	vadd.s32 s6, v9;
	v28 =	vmax.f32 v34, $0.0e+00;
	v27 =	vld.idx.msk [tilespmem:v18+s16+$0x0], $0xffff;
	vm5 =	vmand vm5, vm6;
	(pc) =	sbr.rel @p4 .LBB2_32-.Ltmp18, $3  }
0x126: {  	v32 =	vadd.f32 v35, v14;
	v29 =	vld.idx.msk [tilespmem:v21+s28+$0x0], $0xffff;
	v21 =	vmax.f32 v31, $0.0e+00;
	vm5 =	vmand vm7, vm5;
	v18 =	vmovc v33  }
0x127: {  	v28 =	vmul.f32 v28, v21;
	vm4 =	vmor vm4, vm5;
	_ =	sdelay $0x1  }
0x128: {  	v21 =	vmov s7;
	v31 =	vmin.f32 v12, v23;
	s7 =	smov.u32 s8;
	s8 =	smov.u32 s6;
	v32 =	vsub.f32 v32, v28  }
0x129: {  	s26 =	smov.u32 s7;
	s6 =	smov.u32 s8  }
.LBB2_34:
0x12a: {  	_ =	sdelay $0x3  }
0x12b: {  	v24 =	vld.idx.msk [tilespmem:v24+s29+$0x0], $0xffff  }
0x12c: {  	v23 =	vsub.f32 @p3 v23, v26;
	v34 =	vld.idx.msk @p2 [tilespmem:v18+s17+$0x0], $0xffff  }
0x12d: {  	v26 =	vmax.f32 @p3 v11, v26;
	v33 =	vmin.f32 @p3 v13, v25;
	v25 =	vsub.f32 @p3 v25, v27;
	v35 =	vld.idx.msk @p2 [tilespmem:v18+s18+$0x0], $0xffff  }
0x12e: {  	v27 =	vmax.f32 @p3 v10, v27;
	v32 =	vmul.f32 @p1 $5.000000000e-01, v32;
	vm5 =	vne.s32 @p1 v29, $0x0;
	v29 =	vld.idx.msk @p2 [tilespmem:v18+s15+$0x0], $0xffff  }
0x12f: {  	v18 =	vld.idx.msk @p2 [tilespmem:v18+s16+$0x0], $0xffff;
	v56 =	vmov s6;
	v26 =	vsub.f32 @p3 v31, v26;
	v27 =	vsub.f32 @p3 v33, v27  }
0x130: {  	vm7 =	vlt.u32 @p1 v30, v2;
	vm14 =	vlt.u32 v56, v2;
	v23 =	vmul.f32 @p3 v25, v23  }
0x131: {  	vm6 =	vgt.f32 @p1 v28, v32;
	v25 =	vmax.f32 @p3 v27, $0.0e+00;
	v26 =	vmax.f32 @p3 v26, $0.0e+00  }
0x132: {  	vm5 =	vmand @p1 vm5, vm6;
	v23 =	vadd.f32 @p3 v23, v14;
	v25 =	vmul.f32 @p3 v25, v26  }
0x133: {  	v28 =	vmin.f32 @p2 v12, v34;
	v16 =	vpsel p2, v34, v16;
	v19 =	vpsel p2, v29, v19  }
0x134: {  	v17 =	vpsel p2, v35, v17;
	v18 =	vpsel p2, v18, v20;
	v23 =	vsub.f32 @p3 v23, v25  }
0x135: {  	v27 =	vld.idx.msk @p3 [tilespmem:v21+s28+$0x0], $0xffff;
	v22 =	vpsel p2, v28, v22;
	v16 =	vsub.f32 @p2 v16, v19;
	v29 =	vmin.f32 @p2 v13, v17  }
0x136: {  	v17 =	vsub.f32 @p2 v17, v18;
	v18 =	vmax.f32 @p2 v10, v18;
	v19 =	vmax.f32 @p2 v11, v19;
	v53 =	vld.idx.msk [tilespmem:v24+s17+$0x0], $0xffff  }
0x137: {  	vm5 =	vmand @p1 vm7, vm5;
	v18 =	vsub.f32 @p2 v29, v18;
	v19 =	vsub.f32 @p2 v22, v19;
	v54 =	vld.idx.msk [tilespmem:v24+s18+$0x0], $0xffff  }
0x138: {  	v26 =	vmov @p2 s26;
	vm4 =	vmor @p1 vm4, vm5;
	v55 =	vld.idx.msk [tilespmem:v24+s15+$0x0], $0xffff;
	v16 =	vmul.f32 @p2 v17, v16  }
0x139: {  	v20 =	vpsel p3, v23, v0;
	v24 =	vld.idx.msk [tilespmem:v24+s16+$0x0], $0xffff;
	v17 =	vmax.f32 @p2 v18, $0.0e+00;
	v18 =	vmax.f32 @p2 v19, $0.0e+00  }
0x13a: {  	v20 =	vmul.f32 @p3 $5.000000000e-01, v20;
	v16 =	vadd.f32 @p2 v16, v14;
	v17 =	vmul.f32 @p2 v17, v18  }
0x13b: {  	v15 =	vpsel p2, v26, v15;
	v25 =	vpsel p3, v25, v0;
	v27 =	vpsel p3, v27, v0  }
0x13c: {  	vm5 =	vne.s32 @p3 v27, $0x0;
	vm6 =	vgt.f32 @p3 v25, v20;
	v16 =	vsub.f32 @p2 v16, v17  }
0x13d: {  	v57 =	vmin.f32 v12, v53;
	v58 =	vsub.f32 v53, v55;
	v11 =	vmax.f32 v11, v55  }
0x13e: {  	v59 =	vmin.f32 v13, v54;
	v60 =	vsub.f32 v54, v24;
	v10 =	vmax.f32 v10, v24  }
0x13f: {  	vm5 =	vmand @p3 vm5, vm6;
	v11 =	vsub.f32 v57, v11;
	v10 =	vsub.f32 v59, v10  }
0x140: {  	vm6 =	vmmov vm0;
	v12 =	vpsel p3, v21, v0;
	v13 =	vld.idx.msk @p2 [tilespmem:v15+s28+$0x0], $0xffff;
	v61 =	vmul.f32 v60, v58  }
0x141: {  	vm6 =	vmmov @p1 vm4;
	v10 =	vmax.f32 v10, $0.0e+00;
	v11 =	vmax.f32 v11, $0.0e+00  }
0x142: {  	vm7 =	vlt.u32 @p3 v12, v2;
	v62 =	vadd.f32 v61, v14;
	v10 =	vmul.f32 v10, v11  }
0x143: {  	v63 =	vld.idx.msk [tilespmem:v56+s28+$0x0], $0xffff;
	v15 =	vpsel p2, v15, v0;
	vm4 =	vmand @p3 vm7, vm5;
	v11 =	vpsel p2, v16, v0  }
0x144: {  	vm5 =	vmmov vm0;
	v11 =	vmul.f32 @p2 $5.000000000e-01, v11;
	v12 =	vsub.f32 v62, v10  }
0x145: {  	vm4 =	vmor @p3 vm6, vm4;
	v16 =	vpsel p2, v17, v0;
	v13 =	vpsel p2, v13, v0  }
0x146: {  	vm6 =	vne.s32 @p2 v13, $0x0;
	vm7 =	vgt.f32 @p2 v16, v11;
	v11 =	vmul.f32 $5.000000000e-01, v12  }
0x147: {  	vm5 =	vmmov @p3 vm4;
	vm4 =	vlt.u32 @p2 v15, v2;
	vm6 =	vmand @p2 vm6, vm7  }
0x148: {  	vm12 =	vne.s32 v63, $0x0;
	vm4 =	vmand @p2 vm4, vm6;
	vm13 =	vgt.f32 v10, v11  }
0x149: {  	vm4 =	vmor @p2 vm5, vm4;
	vm5 =	vmmov vm0;
	vm6 =	vmand vm12, vm13  }
0x14a: {  	vm5 =	vmmov @p2 vm4;
	vm15 =	vmand vm14, vm6  }
0x14b: {  	v10 =	vsel vm3, $0x2, v6;
	vm4 =	vmor vm5, vm15  }
0x14c: {  	v10 =	vsel vm2, $0x0, v10;
	v11 =	vsel vm4, $0x2, v6  }
0x14d: {  	[tilespmem:$0x10A00] =	vst v10;
	v11 =	vsel vm1, $0x0, v11  }
0x14e: {  	s2 =	rddreg [dreg:$0x11];
	s4 =	simm.s32 $0x10A00;
	s26 =	simm.s32 $0x1;
	[tilespmem:$0x10A10] =	vst v11  }
0x14f: {  	[spmem:s2] =	stream.linear.scatter [tilespmem:s4], [sflag:$0x1], $0x10, $0x38;
	[tilespmem:$0x10B68] =	vst v63  }
0x150: {  	_ =	swait.ge [sflag:s26], $0x10  }
0x151: {  	[sflag:s26] =	ssyncset.done $0x0  }
0x152: {  	s9 =	simm.s32 $0x10A10;
	s8 =	rddreg [dreg:$0x12];
	[sflag:s26] =	ssyncadd.s32 $0xFFFFFFF0  }
0x153: {  	[spmem:s8] =	stream.linear.scatter [tilespmem:s9], [sflag:$0x1], $0x10, $0x38;
	[tilespmem:$0x10B68] =	vst v63  }
.Ltmp19:
0x154: {  	_ =	swait.ge [sflag:s26], $0x10;
	(pc) =	sbr.rel @p0 .LBB2_56-.Ltmp19, $3  }
0x155: {  	[sflag:s26] =	ssyncset.done $0x0  }
0x156: {  	[sflag:s26] =	ssyncadd.s32 $0xFFFFFFF0  }
0x157: {  	[bflag:$0x0] =	sbarrier.arrive $0xFFFF;
	_ =	sdelay $0x1  }
0x158: {  	s2 =	rddreg [dreg:$0x9]  }
0x159: {  	[tilespmem:s30], [sflag:$0x1] =	stream.linear.gather [spmem:s2], $0x200, $0x38;
	[tilespmem:$0x10B68] =	vst v63  }
0x15a: {  	_ =	swait.ge [sflag:s26], $0x200  }
0x15b: {  	[sflag:s26] =	ssyncset.done $0x0  }
0x15c: {  	[sflag:s26] =	ssyncadd.s32 $0xFFFFFE00  }
0x15d: {  	[tilespmem:$0xDE00] =	vst v4  }
0x15e: {  	[tilespmem:$0xDE10] =	vst v4  }
0x15f: {  	[tilespmem:$0xDE20] =	vst v4  }
0x160: {  	[tilespmem:$0xDE30] =	vst v4  }
0x161: {  	[tilespmem:$0xDE40] =	vst v4  }
0x162: {  	[tilespmem:$0xDE50] =	vst v4  }
0x163: {  	[tilespmem:$0xDE60] =	vst v4  }
0x164: {  	[tilespmem:$0xDE70] =	vst v4  }
0x165: {  	[tilespmem:$0xDE80] =	vst v4  }
0x166: {  	[tilespmem:$0xDE90] =	vst v4  }
0x167: {  	[tilespmem:$0xDEA0] =	vst v4  }
0x168: {  	[tilespmem:$0xDEB0] =	vst v4  }
0x169: {  	[tilespmem:$0xDEC0] =	vst v4  }
0x16a: {  	[tilespmem:$0xDED0] =	vst v4  }
0x16b: {  	[tilespmem:$0xDEE0] =	vst v4  }
0x16c: {  	[tilespmem:$0xDEF0] =	vst v4  }
0x16d: {  	[tilespmem:$0xDF00] =	vst v4  }
0x16e: {  	[tilespmem:$0xDF10] =	vst v4  }
0x16f: {  	[tilespmem:$0xDF20] =	vst v4  }
0x170: {  	[tilespmem:$0xDF30] =	vst v4  }
0x171: {  	[tilespmem:$0xDF40] =	vst v4  }
0x172: {  	[tilespmem:$0xDF50] =	vst v4  }
0x173: {  	[tilespmem:$0xDF60] =	vst v4  }
0x174: {  	[tilespmem:$0xDF70] =	vst v4  }
0x175: {  	[tilespmem:$0xDF80] =	vst v4  }
0x176: {  	[tilespmem:$0xDF90] =	vst v4  }
0x177: {  	[tilespmem:$0xDFA0] =	vst v4  }
.Ltmp20:
0x178: {  	[tilespmem:$0xDFB0] =	vst v4;
	(pc) =	sbr.rel .LBB2_36-.Ltmp20, $4  }
0x179: {  	[tilespmem:$0xDFC0] =	vst v4  }
0x17a: {  	[tilespmem:$0xDFD0] =	vst v4  }
0x17b: {  	[tilespmem:$0xDFE0] =	vst v4  }
0x17c: {  	s6 =	simm.s32 $0x0;
	s26 =	simm.s32 $0x10;
	[tilespmem:$0xDFF0] =	vst v4  }
.LBB2_49:
0x17d: {  	s6 =	sadd.s32 $0x1, s6  }
0x17e: {  	p1 =	sne.s32 s6, $0x20  }
.Ltmp21:
0x17f: {  	_ = 	snop;
	(pc) =	sbr.rel @!p1 .LBB2_50-.Ltmp21, $2  }
0x180: {  	_ =	sdelay $0x2  }
0x181: {  	s26 =	sadd.s32 $0x10, s26  }
.LBB2_36:
0x182: {  	s5 =	sshll.u32 s6, $0x4  }
0x183: {  	v10 =	vld [tilespmem:s5+$0xDC00];
	_ =	sdelay $0x4  }
0x184: {  	vm1 =	veq.s32 v10, $0x2  }
0x185: {  	v10 =	vsel vm1, $0x3F800000, v7  }
0x186: {  	(xrf0) =	vmax.scan.msk.f32 $0xffff, v10;
	_ =	sdelay $0x5  }
0x187: {  	v10, _, _ =	vpop (xrf0)  }
0x188: {  	(v2sf) =	vpush v10, $0xF;
	_ =	sdelay $0xe  }
0x189: {  	s7 =	spop (v2sf)  }
0x18a: {  	p1 =	sgt.f32 s7, $0.0e+00  }
.Ltmp22:
0x18b: {  	_ = 	snop;
	(pc) =	sbr.rel @!p1 .LBB2_49-.Ltmp22, $1  }
0x18c: {  	_ =	sdelay $0x3  }
0x18d: {  	v10 =	vmov s5  }
.LBB2_38:
0x18e: {  	v12 =	vmctz.xlane vm1;
	_ =	sdelay $0x1  }
0x18f: {  	v11 =	vadd.s32 v10, v12  }
0x190: {  	v13 =	vadd.s32 v9, v11;
	_ =	sdelay $0x4  }
0x191: {  	v13 =	vld.idx.msk [tilespmem:v13+s29+$0x0], $0xffff;
	_ =	sdelay $0x6  }
0x192: {  	s9 =	simm.s32 $0x0  }
0x193: {  	v14 =	vld.idx.msk [tilespmem:v13+s9+$0x0], $0xffff  }
0x194: {  	v16 =	vld.idx.msk [tilespmem:v13+s16+$0x0], $0xffff  }
0x195: {  	v15 =	vld.idx.msk [tilespmem:v13+s17+$0x0], $0xffff  }
0x196: {  	v17 =	vld.idx.msk [tilespmem:v13+s18+$0x0], $0xffff;
	_ =	sdelay $0x1  }
0x197: {  	p4 =	sne.s32 s26, $0x10  }
.Ltmp23:
0x198: {  	_ = 	snop;
	(pc) =	sbr.rel @!p4 .LBB2_39-.Ltmp23, $4  }
0x199: {  	s5 =	sadd.s32 $0x0, s3  }
0x19a: {  	s5 =	sand.u32 $0xFFFFFF80, s5;
	s8 =	sand.u32 $0x70, s9;
	v13 =	vsub.f32 v15, v14;
	v18 =	vsub.f32 v17, v16  }
0x19b: {  	s7 =	simm.s32 $0xDC00;
	s25 =	simm.s32 $0x10;
	s5 =	sor.u32 s8, s5  }
0x19c: {  	p1 =	por $0x0, $0x0;
	p2 =	por $0x0, $0x0;
	p3 =	por $0x0, $0x0;
	v32 =	vld [tilespmem:s5+$0x6400];
	v13 =	vmul.f32 v18, v13  }
0x19d: {  	_ =	sdelay $0x3  }
0x19e: {  	s5 =	sadd.s32 $0x10, s3;
	p4 =	sne.s32 s26, $0x20  }
.Ltmp24:
0x19f: {  	s8 =	sand.u32 $0x70, s25;
	s5 =	sand.u32 $0xFFFFFF80, s5;
	(pc) =	sbr.rel @!p4 .LBB2_41-.Ltmp24, $4  }
0x1a0: {  	s5 =	sor.u32 s8, s5  }
0x1a1: {  	v28 =	vld [tilespmem:s5+$0x6400]  }
0x1a2: {  	v23 =	vld.idx.msk [tilespmem:v32+s18+$0x0], $0xffff  }
0x1a3: {  	s10 =	simm.s32 $0x20;
	p1 =	por $0x1, $0x1;
	v24 =	vld.idx.msk [tilespmem:v32+s16+$0x0], $0xffff  }
0x1a4: {  	s5 =	sadd.s32 $0x20, s3  }
0x1a5: {  	s8 =	sand.u32 $0x70, s10;
	s5 =	sand.u32 $0xFFFFFF80, s5  }
0x1a6: {  	s5 =	sor.u32 s8, s5  }
0x1a7: {  	p4 =	sne.s32 s26, $0x30;
	v30 =	vld [tilespmem:s5+$0x6400]  }
.Ltmp25:
0x1a8: {  	_ = 	snop;
	(pc) =	sbr.rel @!p4 .LBB2_43-.Ltmp25, $4  }
0x1a9: {  	v18 =	vld.idx.msk [tilespmem:v32+s17+$0x0], $0xffff  }
0x1aa: {  	v19 =	vld.idx.msk [tilespmem:v32+s15+$0x0], $0xffff  }
0x1ab: {  	v29 =	vld.idx.msk [tilespmem:v28+s18+$0x0], $0xffff;
	v20 =	vmin.f32 v17, v23;
	v22 =	vmax.f32 v16, v24  }
0x1ac: {  	p2 =	por $0x1, $0x1;
	s8 =	simm.s32 $0x30;
	v31 =	vld.idx.msk [tilespmem:v28+s16+$0x0], $0xffff;
	v21 =	vsub.f32 v23, v24;
	v22 =	vsub.f32 v20, v22  }
0x1ad: {  	s5 =	sadd.s32 $0x30, s3  }
0x1ae: {  	s12 =	sand.u32 $0x70, s8;
	s5 =	sand.u32 $0xFFFFFF80, s5  }
0x1af: {  	v26 =	vld [tilespmem:s7+$0x0];
	p4 =	sne.s32 s26, $0x40;
	v24 =	vmin.f32 v15, v18;
	v23 =	vsub.f32 v18, v19;
	s5 =	sor.u32 s12, s5;
	v27 =	vmax.f32 v14, v19  }
.Ltmp26:
0x1b0: {  	v20 =	vld [tilespmem:s5+$0x6400];
	v24 =	vsub.f32 v24, v27;
	(pc) =	sbr.rel @!p4 .LBB2_45-.Ltmp26, $4  }
0x1b1: {  	v25 =	vld.idx.msk [tilespmem:v28+s17+$0x0], $0xffff;
	v27 =	vmul.f32 v21, v23  }
0x1b2: {  	v28 =	vld.idx.msk [tilespmem:v28+s15+$0x0], $0xffff;
	v36 =	vmax.f32 v22, $0.0e+00;
	v32 =	vmin.f32 v17, v29;
	v35 =	vmax.f32 v24, $0.0e+00  }
0x1b3: {  	p3 =	por $0x1, $0x1;
	v34 =	vmax.f32 v16, v31;
	v23 =	vld.idx.msk [tilespmem:v30+s18+$0x0], $0xffff;
	v33 =	vadd.f32 v27, v13;
	v27 =	vmul.f32 v36, v35  }
0x1b4: {  	s13 =	simm.s32 $0x0;
	vm2 =	vmmov vm0;
	s12 =	simm.s32 $0xDC10;
	s5 =	simm.s32 $0x40;
	v31 =	vsub.f32 v29, v31;
	v24 =	vld.idx.msk [tilespmem:v30+s16+$0x0], $0xffff;
	v29 =	vsub.f32 v32, v34  }
.LBB2_46:
0x1b5: {  	s2 =	sadd.s32 s5, s3;
	v32 =	vsub.f32 v33, v27;
	v33 =	vmov v20;
	s4 =	smov.u32 s5;
	s5 =	sadd.s32 $0x10, s5  }
0x1b6: {  	v34 =	vmin.f32 v15, v25;
	v38 =	vor.u32 s13, v0;
	vm3 =	veq.s32 v26, $0x1;
	s2 =	sand.u32 $0xFFFFFF80, s2;
	s19 =	sand.u32 $0x70, s4;
	p4 =	sne.s32 s26, s5;
	v26 =	vld [tilespmem:s12+$0x0]  }
0x1b7: {  	s13 =	smov.u32 s25;
	s25 =	smov.u32 s10;
	v36 =	vsub.f32 v25, v28;
	v28 =	vmax.f32 v14, v28;
	s2 =	sor.u32 s19, s2;
	v25 =	vld.idx.msk [tilespmem:v30+s17+$0x0], $0xffff;
	v39 =	vmul.f32 $5.000000000e-01, v32  }
.Ltmp27:
0x1b8: {  	s10 =	smov.u32 s8;
	vm4 =	vlt.s32 v38, v11;
	s8 =	smov.u32 s4;
	v37 =	vmin.f32 v17, v23;
	v34 =	vsub.f32 v34, v28;
	v35 =	vmovc v23;
	v20 =	vld [tilespmem:s2+$0x6400];
	(pc) =	sbr.rel @p4 .LBB2_46-.Ltmp27, $4  }
0x1b9: {  	v38 =	vmax.f32 v16, v24;
	v31 =	vmul.f32 v31, v36;
	v28 =	vld.idx.msk [tilespmem:v30+s15+$0x0], $0xffff;
	vm5 =	vgt.f32 v27, v39  }
0x1ba: {  	v29 =	vmax.f32 v29, $0.0e+00;
	v27 =	vmax.f32 v34, $0.0e+00;
	v30 =	vmovc v33;
	v32 =	vmovc v24;
	v23 =	vld.idx.msk [tilespmem:v33+s18+$0x0], $0xffff;
	vm3 =	vmand vm3, vm5  }
0x1bb: {  	v27 =	vmul.f32 v29, v27;
	v24 =	vld.idx.msk [tilespmem:v33+s16+$0x0], $0xffff;
	v33 =	vadd.f32 v31, v13;
	vm3 =	vmand vm4, vm3  }
0x1bc: {  	s12 =	sadd.s32 $0x10, s12;
	v29 =	vsub.f32 v37, v38;
	v31 =	vsub.f32 v35, v32;
	vm2 =	vmor vm2, vm3  }
0x1bd: {  	s5 =	smov.u32 s25;
	v32 =	vmov v30;
	s25 =	smov.u32 s8  }
.LBB2_48:
0x1be: {  	_ =	sdelay $0x2  }
0x1bf: {  	vm3 =	veq.s32 @p3 v26, $0x1;
	v26 =	vld @p2 [tilespmem:s12+$0x0]  }
0x1c0: {  	v30 =	vsub.f32 @p3 v33, v27;
	v33 =	vmin.f32 @p2 v15, v25;
	v35 =	vld.idx.msk @p1 [tilespmem:v32+s17+$0x0], $0xffff  }
0x1c1: {  	v34 =	vor.u32 @p3 s13, v0;
	v25 =	vsub.f32 @p2 v25, v28;
	v28 =	vmax.f32 @p2 v14, v28;
	v32 =	vld.idx.msk @p1 [tilespmem:v32+s15+$0x0], $0xffff  }
0x1c2: {  	v45 =	vld.idx.msk [tilespmem:v20+s18+$0x0], $0xffff;
	v58 =	vor.u32 s25, v0;
	v36 =	vmin.f32 @p1 v17, v23;
	v28 =	vsub.f32 @p2 v33, v28  }
0x1c3: {  	v46 =	vld.idx.msk [tilespmem:v20+s16+$0x0], $0xffff;
	vm4 =	vlt.s32 @p3 v34, v11;
	vm15 =	vlt.s32 v58, v11;
	v30 =	vmul.f32 @p3 $5.000000000e-01, v30  }
0x1c4: {  	v47 =	vld.idx.msk [tilespmem:v20+s17+$0x0], $0xffff;
	v33 =	vmax.f32 @p1 v16, v24;
	v25 =	vmul.f32 @p2 v31, v25;
	v23 =	vsub.f32 @p1 v23, v24  }
0x1c5: {  	s2 =	smov.u32 @p2 s5;
	v48 =	vld.idx.msk [tilespmem:v20+s15+$0x0], $0xffff;
	v24 =	vsub.f32 @p1 v36, v33;
	vm5 =	vgt.f32 @p3 v27, v30;
	v27 =	vmax.f32 @p2 v28, $0.0e+00  }
0x1c6: {  	s2 =	smov.u32 @p2 s2;
	v28 =	vmax.f32 @p2 v29, $0.0e+00;
	v25 =	vadd.f32 @p2 v25, v13;
	v21 =	vpsel p1, v23, v21  }
0x1c7: {  	v30 =	vor.u32 @p2 s2, v0;
	vm3 =	vmand @p3 vm3, vm5;
	v27 =	vmul.f32 @p2 v28, v27  }
0x1c8: {  	v18 =	vpsel p1, v35, v18;
	v26 =	vpsel p2, v26, v0;
	v19 =	vpsel p1, v32, v19  }
0x1c9: {  	v22 =	vpsel p1, v24, v22;
	v49 =	vmin.f32 v17, v45;
	v50 =	vmax.f32 v16, v46  }
0x1ca: {  	v51 =	vsub.f32 v45, v46;
	v52 =	vmin.f32 v15, v47;
	v53 =	vsub.f32 v47, v48  }
0x1cb: {  	v54 =	vmax.f32 v14, v48;
	vm5 =	vlt.s32 @p2 v30, v11;
	vm3 =	vmand @p3 vm4, vm3  }
0x1cc: {  	v25 =	vpsel p2, v25, v0;
	v24 =	vmin.f32 @p1 v15, v18;
	v18 =	vsub.f32 @p1 v18, v19  }
0x1cd: {  	v19 =	vmax.f32 @p1 v14, v19;
	v16 =	vsub.f32 v49, v50;
	v14 =	vsub.f32 v52, v54  }
0x1ce: {  	s4 =	simm.s32 $0xDC00;
	s2 =	sadd.s32 @p2 $0x10, s12;
	vm2 =	vmor @p3 vm2, vm3;
	v27 =	vpsel p2, v27, v0;
	v19 =	vsub.f32 @p1 v24, v19  }
0x1cf: {  	s4 =	smov.u32 @p2 s2;
	v55 =	vmul.f32 v51, v53;
	v23 =	vsub.f32 @p2 v25, v27;
	v18 =	vmul.f32 @p1 v21, v18  }
0x1d0: {  	v20 =	vld @p1 [tilespmem:s4+$0x0];
	v21 =	vmax.f32 @p1 v22, $0.0e+00;
	v14 =	vmax.f32 v14, $0.0e+00;
	v19 =	vmax.f32 @p1 v19, $0.0e+00  }
0x1d1: {  	s2 =	smov.u32 @p1 s10;
	v16 =	vmax.f32 v16, $0.0e+00;
	v19 =	vmul.f32 @p1 v21, v19;
	v18 =	vadd.f32 @p1 v18, v13  }
0x1d2: {  	s9 =	smov.u32 @p1 s2;
	v14 =	vmul.f32 v16, v14;
	v56 =	vadd.f32 v55, v13;
	v23 =	vmul.f32 @p2 $5.000000000e-01, v23  }
0x1d3: {  	s4 =	sadd.s32 @p1 $0x10, s4;
	vm3 =	veq.s32 @p2 v26, $0x1;
	s2 =	smov.u32 @p1 s9;
	v15 =	vpsel p1, v18, v0;
	v17 =	vpsel p1, v19, v0  }
0x1d4: {  	s7 =	smov.u32 @p1 s4;
	s2 =	smov.u32 @p1 s2;
	v13 =	vsub.f32 v56, v14;
	vm4 =	vgt.f32 @p2 v27, v23;
	v15 =	vsub.f32 @p1 v15, v17  }
0x1d5: {  	v57 =	vld [tilespmem:s7+$0x0];
	v18 =	vpsel p1, v20, v0;
	v19 =	vor.u32 @p1 s2, v0;
	vm3 =	vmand @p2 vm3, vm4  }
0x1d6: {  	vm4 =	vmmov vm0;
	v13 =	vmul.f32 $5.000000000e-01, v13;
	v15 =	vmul.f32 @p1 $5.000000000e-01, v15  }
0x1d7: {  	vm4 =	vmmov @p3 vm2;
	vm2 =	vmand @p2 vm5, vm3;
	vm3 =	veq.s32 @p1 v18, $0x1  }
0x1d8: {  	vm5 =	vmmov vm0;
	vm2 =	vmor @p2 vm4, vm2;
	vm4 =	vgt.f32 @p1 v17, v15  }
0x1d9: {  	vm14 =	vgt.f32 v14, v13;
	vm3 =	vmand @p1 vm3, vm4;
	vm4 =	vlt.s32 @p1 v19, v11  }
0x1da: {  	vm5 =	vmmov @p2 vm2;
	vm2 =	vmand @p1 vm4, vm3;
	vm3 =	veq.s32 v57, $0x1  }
0x1db: {  	vm2 =	vmor @p1 vm5, vm2;
	vm5 =	vmmov vm0;
	vm3 =	vmand vm3, vm14  }
0x1dc: {  	vm5 =	vmmov @p1 vm2;
	vm2 =	vmand vm15, vm3  }
0x1dd: {  	vm2 =	vmor vm5, vm2  }
0x1de: {  	v59 =	vsel vm2, $0x3F800000, v7;
	vm2 =	vne.s32 v12, v0  }
0x1df: {  	(xrf0) =	vmax.scan.msk.f32 $0xffff, v59;
	vm1 =	vmand vm1, vm2  }
0x1e0: {  	v60 =	vsel vm1, $0x3F800000, v7  }
0x1e1: {  	(xrf0) =	vmax.scan.msk.f32 $0xffff, v60;
	_ =	sdelay $0x3  }
0x1e2: {  	v61, _, _ =	vpop (xrf0)  }
0x1e3: {  	(v2sf) =	vpush v61, $0xF  }
0x1e4: {  	v62, _, _ =	vpop (xrf0)  }
0x1e5: {  	(v2sf) =	vpush v62, $0xF;
	_ =	sdelay $0xc  }
0x1e6: {  	s19 =	spop (v2sf)  }
0x1e7: {  	p1 =	sgt.f32 s19, $0.0e+00  }
0x1e8: {  	s2 =	simm.s32 $0xFFFFFFFF;
	s25 =	spop (v2sf)  }
0x1e9: {  	s2 =	simm.s32 @!p1 $0x0;
	p1 =	sgt.f32 s25, $0.0e+00  }
.Ltmp28:
0x1ea: {  	v63 =	vmov s2;
	(pc) =	sbr.rel @p1 .LBB2_38-.Ltmp28, $4  }
.Ltmp29:
0x1eb: {  	v12 =	vadd.s32 $0x1, v63;
	(pc) =	sbr.rel @!p1 .LBB2_49-.Ltmp29, $4  }
0x1ec: {  	v12 =	vbroadcast v12, $0x0  }
0x1ed: {  	_ = 	snop  }
0x1ee: {  	[tilespmem:v11+s30+$0x0] =	vst.idx.msk $0x1, v12  }
0x1ef: {  	_ = 	snop  }
.LBB2_39:
.Ltmp30:
0x1f0: {  	_ = 	snop;
	(pc) =	sbr.rel .LBB2_48-.Ltmp30, $2  }
0x1f1: {  	_ =	sdelay $0x2  }
0x1f2: {  	s12 =	simm.s32 $0xDC00;
	s25 =	simm.s32 $0x0;
	vm2 =	vmmov vm0;
	v20 =	vmov v32  }
.LBB2_41:
.Ltmp31:
0x1f3: {  	(pc) =	sbr.rel .LBB2_48-.Ltmp31, $2  }
0x1f4: {  	_ =	sdelay $0x2  }
0x1f5: {  	s12 =	simm.s32 $0xDC00;
	s10 =	simm.s32 $0x0;
	vm2 =	vmmov vm0;
	v20 =	vmov v28  }
.LBB2_43:
.Ltmp32:
0x1f6: {  	_ = 	snop;
	(pc) =	sbr.rel .LBB2_48-.Ltmp32, $3  }
0x1f7: {  	_ =	sdelay $0x1  }
0x1f8: {  	s12 =	simm.s32 $0xDC00;
	v20 =	vmovc v30;
	v32 =	vmov v28;
	vm2 =	vmmov vm0;
	v25 =	vmov v18  }
0x1f9: {  	s5 =	simm.s32 $0x0;
	s10 =	simm.s32 $0x10;
	s25 =	simm.s32 $0x20;
	v28 =	vmovc v19;
	v23 =	vmovc v29;
	v29 =	vmov v22;
	v24 =	vmov v31;
	v31 =	vmov v21  }
.LBB2_45:
.Ltmp33:
0x1fa: {  	(pc) =	sbr.rel .LBB2_48-.Ltmp33, $2  }
0x1fb: {  	_ =	sdelay $0x2  }
0x1fc: {  	s13 =	simm.s32 $0x0;
	v32 =	vmov v30;
	s5 =	simm.s32 $0x10;
	s25 =	simm.s32 $0x30;
	vm2 =	vmmov vm0  }
.LBB2_50:
.Ltmp34:
0x1fd: {  	s10 =	rddreg [dreg:$0xa];
	(pc) =	sbr.rel .LBB2_51-.Ltmp34, $4  }
0x1fe: {  	s12 =	rddreg [dreg:$0xb]  }
0x1ff: {  	s13 =	rddreg [dreg:$0xd]  }
0x200: {  	s5 =	simm.s32 $0x0;
	s19 =	rddreg [dreg:$0xe]  }
0x201: {  	s6 =	simm.s32 $0x0;
	s25 =	rddreg [dreg:$0xf];
	s26 =	simm.s32 $0x1  }
.LBB2_54:
0x202: {  	s6 =	sadd.s32 $0x1, s6  }
0x203: {  	p1 =	sne.s32 s6, $0x20  }
.Ltmp35:
0x204: {  	_ = 	snop;
	(pc) =	sbr.rel @!p1 .LBB2_55-.Ltmp35, $1  }
0x205: {  	_ =	sdelay $0x3  }
.LBB2_51:
0x206: {  	s7 =	sshll.u32 s6, $0x4  }
0x207: {  	v10 =	vld [tilespmem:s7+$0xDC00];
	_ =	sdelay $0x4  }
0x208: {  	vm1 =	veq.s32 v10, $0x1  }
0x209: {  	v10 =	vsel vm1, $0x3F800000, v7  }
0x20a: {  	(xrf0) =	vmax.scan.msk.f32 $0xffff, v10;
	_ =	sdelay $0x5  }
0x20b: {  	v10, _, _ =	vpop (xrf0)  }
0x20c: {  	(v2sf) =	vpush v10, $0xF;
	_ =	sdelay $0xe  }
0x20d: {  	s2 =	spop (v2sf)  }
0x20e: {  	p1 =	sgt.f32 s2, $0.0e+00  }
.Ltmp36:
0x20f: {  	_ = 	snop;
	(pc) =	sbr.rel @!p1 .LBB2_54-.Ltmp36, $1  }
0x210: {  	_ =	sdelay $0x3  }
0x211: {  	v10 =	vmov s7;
	v11 =	vadd.s32 s7, v9  }
.LBB2_53:
0x212: {  	v12 =	vmctz.xlane vm1;
	_ =	sdelay $0x1  }
0x213: {  	vm2 =	vne.s32 v12, v0  }
0x214: {  	vm1 =	vmand vm1, vm2  }
0x215: {  	v13 =	vsel vm1, $0x3F800000, v7  }
0x216: {  	(xrf0) =	vmax.scan.msk.f32 $0xffff, v13;
	_ =	sdelay $0x5  }
0x217: {  	v13, _, _ =	vpop (xrf0)  }
0x218: {  	(v2sf) =	vpush v13, $0xF;
	_ =	sdelay $0xe  }
0x219: {  	v63 =	vmov s5;
	s2 =	spop (v2sf)  }
0x21a: {  	v14 =	vadd.s32 v11, v12;
	p1 =	sgt.f32 s2, $0.0e+00  }
.Ltmp37:
0x21b: {  	_ = 	snop;
	(pc) =	sbr.rel @p1 .LBB2_53-.Ltmp37, $4  }
0x21c: {  	_ = 	snop  }
0x21d: {  	v12 =	vadd.s32 v10, v12  }
0x21e: {  	[tilespmem:v63+s31+$0x0] =	vst.idx.msk $0x1, v12  }
0x21f: {  	s5 =	sadd.s32 $0x1, s5;
	[tilespmem:v14+s0+$0x0] =	vst.idx.msk $0x1, v8  }
.Ltmp38:
0x220: {  	_ = 	snop;
	(pc) =	sbr.rel .LBB2_54-.Ltmp38, $1  }
0x221: {  	_ =	sdelay $0x3  }
.LBB2_55:
0x222: {  	[spmem:s10] =	stream.linear.scatter [tilespmem:s31], [sflag:$0x1], $0x200, $0x38;
	[tilespmem:$0x10B68] =	vst v63  }
0x223: {  	_ =	swait.ge [sflag:s26], $0x200  }
0x224: {  	[sflag:s26] =	ssyncset.done $0x0  }
0x225: {  	v10 =	vmov s5;
	[sflag:s26] =	ssyncadd.s32 $0xFFFFFE00  }
0x226: {  	s2 =	simm.s32 $0x10A00;
	[tilespmem:$0x10A00] =	vst v10  }
0x227: {  	[spmem:s12] =	stream.linear.scatter [tilespmem:s2], [sflag:$0x1], $0x10, $0x38;
	[tilespmem:$0x10B68] =	vst v63  }
0x228: {  	_ =	swait.ge [sflag:s26], $0x10  }
0x229: {  	[sflag:s26] =	ssyncset.done $0x0  }
0x22a: {  	[sflag:s26] =	ssyncadd.s32 $0xFFFFFFF0  }
.LBB2_56:
0x22b: {  	[bflag:$0x0] =	sbarrier.arrive $0xFFFF;
	s2 =	simm.s32 $0x10A80  }
0x22c: {  	[tilespmem:s2], [sflag:$0x1] =	stream.linear.gather [spmem:s12], $0x80, $0x38;
	[tilespmem:$0x10B68] =	vst v63  }
0x22d: {  	_ =	swait.ge [sflag:s26], $0x80  }
0x22e: {  	[sflag:s26] =	ssyncset.done $0x0  }
0x22f: {  	[sflag:s26] =	ssyncadd.s32 $0xFFFFFF80  }
0x230: {  	v10 =	vld [tilespmem:$0x10A80];
	_ =	sdelay $0x4  }
0x231: {  	v10 =	vxor.u32 $0x80000000, v10  }
0x232: {  	(xrf0) =	vmax.scan.msk.u32 $0xffff, v10;
	_ =	sdelay $0x5  }
0x233: {  	v10, _, _ =	vpop (xrf0)  }
0x234: {  	(v2sf) =	vpush v10, $0xF;
	_ =	sdelay $0xd  }
0x235: {  	[tilespmem:s31], [sflag:$0x1] =	stream.linear.gather [spmem:s10], $0x200, $0x38;
	[tilespmem:$0x10B68] =	vst v63  }
0x236: {  	s8 =	spop (v2sf)  }
0x237: {  	s4 =	sadd.s32 $0x8000000F, s8  }
0x238: {  	s5 =	sand.u32 $0xF, s4  }
0x239: {  	s9 =	sshra.s32 s4, $0x1F;
	p2 =	slt.s32 s4, $0x1;
	p1 =	sne.s32 s5, $0x0  }
0x23a: {  	s5 =	sshrl.u32 s9, $0x1C;
	p1 =	por !p2, !p1  }
0x23b: {  	s4 =	sadd.s32 s5, s4;
	s5 =	simm.s32 $0x1;
	p1 =	por !p1, !p1  }
0x23c: {  	s4 =	sshra.s32 s4, $0x4;
	s5 =	simm.s32 @!p1 $0x0  }
0x23d: {  	s6 =	ssub.s32 s4, s5  }
0x23e: {  	p1 =	slt.s32 s6, $0x1  }
.Ltmp39:
0x23f: {  	_ = 	snop;
	(pc) =	sbr.rel @p1 .LBB2_59-.Ltmp39, $4  }
0x240: {  	_ =	swait.ge [sflag:s26], $0x200  }
0x241: {  	[sflag:s26] =	ssyncset.done $0x0  }
0x242: {  	[sflag:s26] =	ssyncadd.s32 $0xFFFFFE00  }
0x243: {  	s9 =	simm.s32 $0xF600;
	s5 =	sxor.u32 $0x80000000, s8;
	s4 =	simm.s32 $0x5000  }
0x244: {  	v10 =	vmov s5;
	s7 =	simm.s32 $0xDE00;
	s8 =	simm.s32 $0x0  }
.LBB2_58:
0x245: {  	v11 =	vld [tilespmem:s7+$0x0];
	_ =	sdelay $0x4  }
0x246: {  	v11 =	vadd.s32 v9, v11;
	_ =	sdelay $0x4  }
0x247: {  	v12 =	vld.idx.msk [tilespmem:v11+s29+$0x0], $0xffff;
	_ =	sdelay $0x7  }
0x248: {  	v13 =	vld.idx.msk [tilespmem:v12+s15+$0x0], $0xffff  }
0x249: {  	v14 =	vor.u32 s8, v0;
	v15 =	vld.idx.msk [tilespmem:v12+s16+$0x0], $0xffff  }
0x24a: {  	vm1 =	vlt.s32 v14, v10;
	v62 =	vld.idx.msk [tilespmem:v12+s17+$0x0], $0xffff  }
0x24b: {  	s2 =	sadd.s32 s8, s1;
	v16 =	vld.idx.msk [tilespmem:v12+s4+$0x0], $0xffff  }
0x24c: {  	v17 =	vadd.s32 s2, v0;
	v12 =	vld.idx.msk [tilespmem:v12+s18+$0x0], $0xffff;
	_ =	sdelay $0x3  }
0x24d: {  	p1 =	sne.s32 s6, $0x1;
	[tilespmem:v11+s9+$0x0] =	vst.idx.msk vm1, v16  }
.Ltmp40:
0x24e: {  	v11 =	vsub.f32 v62, v13;
	v63 =	vsub.f32 v12, v15;
	[tilespmem:v17+s20+$0x0] =	vst.idx.msk vm1, v13;
	(pc) =	sbr.rel @p1 .LBB2_58-.Ltmp40, $4  }
0x24f: {  	[tilespmem:v17+s21+$0x0] =	vst.idx.msk vm1, v15  }
0x250: {  	v11 =	vmul.f32 v63, v11;
	[tilespmem:v17+s22+$0x0] =	vst.idx.msk vm1, v62  }
0x251: {  	[tilespmem:v17+s23+$0x0] =	vst.idx.msk vm1, v12  }
0x252: {  	s7 =	sadd.s32 $0x10, s7;
	s8 =	sadd.s32 $0x10, s8;
	s6 =	sadd.s32 $0xFFFFFFFF, s6;
	[tilespmem:v17+s24+$0x0] =	vst.idx.msk vm1, v11  }
.Ltmp41:
0x253: {  	_ = 	snop;
	(pc) =	sbr.rel .LBB2_59-.Ltmp41, $1  }
0x254: {  	_ =	sdelay $0x3  }
.LBB2_17:
.Ltmp42:
0x255: {  	_ = 	snop;
	(pc) =	sbr.rel .LBB2_24-.Ltmp42, $2  }
0x256: {  	_ =	sdelay $0x2  }
0x257: {  	s7 =	simm.s32 $0x0;
	vm3 =	vmmov vm0;
	p3 =	por $0x0, $0x0;
	v29 =	vmov v24  }
.LBB2_25:
.Ltmp43:
0x258: {  	(pc) =	sbr.rel .LBB2_34-.Ltmp43, $2  }
0x259: {  	_ =	sdelay $0x2  }
0x25a: {  	vm4 =	vmmov vm0;
	p2 =	por $0x0, $0x0;
	p3 =	por $0x0, $0x0  }
.LBB2_19:
.Ltmp44:
0x25b: {  	(pc) =	sbr.rel .LBB2_24-.Ltmp44, $2  }
0x25c: {  	_ =	sdelay $0x2  }
0x25d: {  	v21 =	vmov v20;
	s7 =	simm.s32 $0x1;
	vm3 =	vmmov vm0;
	p3 =	por $0x0, $0x0  }
.LBB2_27:
.Ltmp45:
0x25e: {  	(pc) =	sbr.rel .LBB2_34-.Ltmp45, $2  }
0x25f: {  	_ =	sdelay $0x2  }
0x260: {  	vm4 =	vmmov vm0;
	s26 =	simm.s32 $0x0;
	s6 =	simm.s32 $0x1;
	p3 =	por $0x0, $0x0  }
.LBB2_21:
.Ltmp46:
0x261: {  	(pc) =	sbr.rel .LBB2_24-.Ltmp46, $2  }
0x262: {  	_ =	sdelay $0x2  }
0x263: {  	v25 =	vmovc v20;
	v29 =	vmovc v28;
	v20 =	vmov v21;
	vm3 =	vmmov vm0;
	v30 =	vmov v33  }
.LBB2_29:
.Ltmp47:
0x264: {  	_ = 	snop;
	(pc) =	sbr.rel .LBB2_34-.Ltmp47, $3  }
0x265: {  	_ =	sdelay $0x1  }
0x266: {  	v23 =	vmov v16;
	v31 =	vmov v22;
	vm4 =	vmmov vm0  }
0x267: {  	s6 =	simm.s32 $0x2;
	v18 =	vmovc v21;
	v21 =	vmovc v15;
	v25 =	vmov v17;
	v26 =	vmov v19;
	v27 =	vmov v20  }
.LBB2_31:
.Ltmp48:
0x268: {  	(pc) =	sbr.rel .LBB2_34-.Ltmp48, $2  }
0x269: {  	_ =	sdelay $0x2  }
0x26a: {  	v30 =	vmov v15;
	vm4 =	vmmov vm0;
	s26 =	simm.s32 $0x2;
	s6 =	simm.s32 $0x3  }
.LBB2_9:
.Ltmp49:
0x26b: {  	(pc) =	sbr.rel .LBB2_15-.Ltmp49, $2  }
0x26c: {  	_ =	sdelay $0x2  }
0x26d: {  	vm1 =	vmmov vm0;
	vm2 =	vmmov vm0  }
.LBB2_11:
.Ltmp50:
0x26e: {  	(pc) =	sbr.rel .LBB2_15-.Ltmp50, $2  }
0x26f: {  	_ =	sdelay $0x2  }
0x270: {  	vm1 =	vmmov vm0;
	vm2 =	vmmov vm0  }
.LBB2_13:
.Ltmp51:
0x271: {  	(pc) =	sbr.rel .LBB2_15-.Ltmp51, $2  }
0x272: {  	_ =	sdelay $0x2  }
0x273: {  	vm2 =	vmmov vm0  }
.LBB2_60:
0x274: {  	_ =	sfence.sel @p0 $0x180000  }
0x275: {  	[bflag:$0x0] =	sbarrier.arrive @p0 $0xFFFF  }
0x276: {  	_ =	strace @p0 $0x90000047  }
0x277: {  	[bflag:$0x2] =	sbarrier.arrive @p0 $0xFFFF  }
0x278: {  	s0 =	simm.s32 @!p0 $0x0;
	s1 =	simm.s32 @!p0 $0xE200;
	s2 =	rddreg [dreg:$0x6]  }
0x279: {  	[hbm4b:s2+s0] =	stream.linear.scatter @!p0 [tilespmem:s1], [sflag:$0x1], $0x1400, $0x38;
	[tilespmem:$0x10B68] =	vst v63  }
0x27a: {  	s1 =	simm.s32 @!p0 $0x1  }
0x27b: {  	_ =	swait.ge @!p0 [sflag:s1], $0x1400  }
0x27c: {  	[sflag:s1] =	ssyncset.done @!p0 $0x0  }
0x27d: {  	[sflag:s1] =	ssyncadd.s32 @!p0 $0xFFFFEC00  }
0x27e: {  	s2 =	simm.s32 @!p0 $0xF600;
	s3 =	rddreg [dreg:$0x7]  }
0x27f: {  	[hbm4b:s3+s0] =	stream.linear.scatter @!p0 [tilespmem:s2], [sflag:$0x1], $0x1400, $0x38;
	[tilespmem:$0x10B68] =	vst v63  }
0x280: {  	_ =	swait.ge @!p0 [sflag:s1], $0x1400  }
0x281: {  	[sflag:s1] =	ssyncset.done @!p0 $0x0  }
0x282: {  	[sflag:s1] =	ssyncadd.s32 @!p0 $0xFFFFEC00  }
0x283: {  	_ =	sfence.sel @!p0 $0x180000  }
0x284: {  	[bflag:$0x0] =	sbarrier.arrive @!p0 $0xFFFF  }
0x285: {  	_ =	strace @!p0 $0x90000047  }
0x286: {  	[bflag:$0x2] =	sbarrier.arrive @!p0 $0xFFFF  }
0x287: {  	s0 =	rddreg [dreg:$0xc]  }
0x288: {  	s0 =	sadd.s32 @!p0 $0x100000, s0  }
0x289: {  	[sflag:s0] =	ssyncadd.tile.s32 @!p0 $0x1;
	_ =	shalt  }
.Lfunc_end2:
_tile_overlayer_lowered:
.L_overlay_start_2:
0x28a: {  	(tag) =	ssettag $0x2  }
0x28b: {  	s0 =	rddreg [dreg:$0x0];
	s2 =	stileid.u32  }
0x28c: {  	s1 =	rddreg [dreg:$0x1];
	p0 =	sne.s32 s2, $0x0  }
0x28d: {  	s3 =	rddreg [dreg:$0x2];
	[bflag:$0x3] =	sbarrier.arrive $0xFFFF;
	s2 =	simm.s32 @!p0 $0x1C01  }
0x28e: {  	[timem:s3], [sflag:s2] =	dma.local @!p0 [hbm:s0], s1  }
0x28f: {  	s0 =	simm.s32 @!p0 $0x1  }
0x290: {  	_ =	swait.ge @!p0 [sflag:s0], s1  }
0x291: {  	s1 =	ssub.s32 @!p0 $0x0, s1;
	[sflag:s0] =	ssyncset.done @!p0 $0x0  }
0x292: {  	[sflag:s0] =	ssyncadd.s32 @!p0 s1  }
0x293: {  	[bflag:$0x3] =	sbarrier.arrive $0xFFFF  }
0x294: {  	_ =	shalt  }

</sc_bundles>
